<compile_context>
chip_gen: v7x
topology: tpu7x:2x2x1
jax: 0.10.2.dev20260603
libtpu: 0.0.44.dev20260713+nightly
codegen_flags: <defaults>
</compile_context>

<pallas_src>
import jax
import jax.numpy as jnp
from jax import lax
from jax.experimental import pallas as pl
from jax.experimental.pallas import tpu as pltpu
from jax.experimental.pallas import tpu_sc as plsc

N = 4096
D_IN = 768
D_DICT = 16384
TOP_K = 64
K_TOTAL = TOP_K * N
TOTAL = N * D_DICT

TN, TD = 1024, 2048
RB = 128

_NC, _NS = 2, 16
_NW = _NC * _NS
_WROWS = N // _NW
_CROWS = 2
_NCH = _WROWS // _CROWS
_SLAB = 32768



def _mm_body(x_ref, w_ref, b_ref, p_ref, bm_ref):
    acc = lax.dot_general(
        x_ref[...], w_ref[...], (((1,), (0,)), ((), ())),
        preferred_element_type=jnp.float32,
        precision=lax.Precision.DEFAULT)
    p = jnp.maximum(acc + b_ref[...], 0.0)
    p_ref[...] = p
    bm_ref[...] = jnp.max(p.reshape(TN // RB, RB, TD), axis=1)


def _encode(x, W_enc, b_enc):
    return pl.pallas_call(
        _mm_body,
        grid=(N // TN, D_DICT // TD),
        in_specs=[
            pl.BlockSpec((TN, D_IN), lambda i, j: (i, 0)),
            pl.BlockSpec((D_IN, TD), lambda i, j: (0, j)),
            pl.BlockSpec((1, TD), lambda i, j: (0, j)),
        ],
        out_specs=[
            pl.BlockSpec((TN, TD), lambda i, j: (i, j)),
            pl.BlockSpec((TN // RB, TD), lambda i, j: (i, j)),
        ],
        out_shape=[
            jax.ShapeDtypeStruct((N, D_DICT), jnp.float32),
            jax.ShapeDtypeStruct((N // RB, D_DICT), jnp.float32),
        ],
    )(x, W_enc, b_enc.reshape(1, D_DICT))



def _make_select(nbits):
    def body(x_ref, t_ref):
        bits = lax.bitcast_convert_type(x_ref[...], jnp.int32)
        phi = jnp.int32(0)
        for b in range(30, 30 - nbits, -1):
            cand = phi | jnp.int32(1 << b)
            cnt = jnp.sum((bits >= cand).astype(jnp.int32))
            phi = jnp.where(cnt >= K_TOTAL, cand, phi)
        t = lax.bitcast_convert_type(phi, jnp.float32)
        t_ref[...] = jnp.full((8, 128), t, jnp.float32)

    def run(x):
        return pl.pallas_call(
            body,
            out_shape=jax.ShapeDtypeStruct((8, 128), jnp.float32),
        )(x)
    return run


_select_lo = _make_select(19)
_select_hi = _make_select(31)



_UNROLL = 8
_SUB = _SLAB // 16 // _UNROLL


def _compact_body(p_hbm, tlo_hbm, vals_hbm, cnt_hbm, tlo_v, buf, slab, cnt_v,
                  sem0, sem1):
    wid = lax.axis_index("s") * _NC + lax.axis_index("c")
    row0 = wid * _WROWS
    pltpu.sync_copy(tlo_hbm, tlo_v)
    tlo = tlo_v[...]
    iota16 = lax.iota(jnp.int32, 16)
    bases = tuple(iota16 * _SUB + (u * 16 * _SUB) for u in range(_UNROLL))
    limits = tuple(b + (_SUB - 1) for b in bases)
    sems = (sem0, sem1)

    def zbody(i, carry):
        for u in range(_UNROLL):
            slab[pl.ds((i * _UNROLL + u) * 16, 16)] = jnp.zeros(
                (16,), jnp.float32)
        return carry
    lax.fori_loop(0, _SLAB // 16 // _UNROLL, zbody, jnp.int32(0))

    def chunk_src(c):
        return p_hbm.at[pl.ds(row0 + c * _CROWS, _CROWS)]

    pltpu.async_copy(chunk_src(0), buf.at[0], sem0)
    pltpu.async_copy(chunk_src(1), buf.at[1], sem1)

    def outer(c2, idxs):
        for b in range(2):
            c = c2 * 2 + b
            pltpu.make_async_copy(chunk_src(c), buf.at[b], sems[b]).wait()
            for r in range(_CROWS):
                def scan(i, idxs, r=r, b=b):
                    new = []
                    for u in range(_UNROLL):
                        v = buf[b, r, pl.ds((i * _UNROLL + u) * 16, 16)]
                        m = v >= tlo
                        ic = jnp.minimum(idxs[u], limits[u])
                        plsc.store_scatter(slab, [ic], v, mask=m)
                        new.append(idxs[u] + m.astype(jnp.int32))
                    return tuple(new)
                idxs = lax.fori_loop(
                    0, D_DICT // 16 // _UNROLL, scan, idxs)

            @pl.when(c + 2 < _NCH)
            def _(c=c, b=b):
                pltpu.async_copy(chunk_src(c + 2), buf.at[b], sems[b])
        return idxs

    idxs = lax.fori_loop(0, _NCH // 2, outer, bases)
    pltpu.sync_copy(slab, vals_hbm.at[wid])
    total = bases[0] - bases[0]
    for u in range(_UNROLL):
        total = total + (idxs[u] - bases[u])
    cnt_v[...] = total
    pltpu.sync_copy(cnt_v, cnt_hbm.at[wid])


_compact = pl.kernel(
    _compact_body,
    out_type=[
        jax.ShapeDtypeStruct((_NW, _SLAB), jnp.float32),
        jax.ShapeDtypeStruct((_NW, 16), jnp.int32),
    ],
    mesh=plsc.VectorSubcoreMesh(core_axis_name="c", subcore_axis_name="s"),
    compiler_params=pltpu.CompilerParams(needs_layout_passes=False),
    scratch_types=[
        pltpu.VMEM((16,), jnp.float32),
        pltpu.VMEM((2, _CROWS, D_DICT), jnp.float32),
        pltpu.VMEM((_SLAB,), jnp.float32),
        pltpu.VMEM((16,), jnp.int32),
        pltpu.SemaphoreType.DMA,
        pltpu.SemaphoreType.DMA,
    ],
)



def _mask_body(t_ref, p_ref, o_ref):
    t = t_ref[0, 0]
    p = p_ref[...]
    o_ref[...] = jnp.where(p >= t, p, 0.0)


def _mask(t11, P):
    BN, BD = 512, 4096
    return pl.pallas_call(
        _mask_body,
        grid=(N // BN, D_DICT // BD),
        in_specs=[
            pl.BlockSpec(memory_space=pltpu.MemorySpace.SMEM),
            pl.BlockSpec((BN, BD), lambda i, j: (i, j)),
        ],
        out_specs=pl.BlockSpec((BN, BD), lambda i, j: (i, j)),
        out_shape=jax.ShapeDtypeStruct((N, D_DICT), jnp.float32),
    )(t11, P)



def kernel(layer_idx, x, W_enc, b_enc):
    P, BM = _encode(x, W_enc, b_enc)
    tlo_tile = _select_lo(BM)
    vals, _cnts = _compact(P, tlo_tile[0, :16])
    t_tile = _select_hi(vals)
    return _mask(t_tile[:1, :1], P)

# --- scband reference (transcript-rebuilt; emitter-appended) ---
"""Pipeline reference for scband-cross-layer-transcoder-2654289789102 (READ-ONLY COPY).

The authoritative reference and input builder live on the scoring server;
editing this copy changes nothing except your own understanding.
"""

import jax, jax.numpy as jnp
import numpy as np

N = 4096
D_IN = 768
D_DICT = 16384
TOP_K = 64

def setup_inputs(seed: int = 0) -> dict:
    key = jax.random.key(seed)
    k1, k2, k3 = jax.random.split(key, 3)
    x = jax.random.normal(k1, (N, D_IN), dtype=jnp.float32)
    W_enc = jax.random.normal(k2, (D_IN, D_DICT), dtype=jnp.float32) * 0.02
    b_enc = jax.random.normal(k3, (D_DICT,), dtype=jnp.float32) * 0.01
    layer_idx = 0
    return {"layer_idx": layer_idx, "x": x, "W_enc": W_enc, "b_enc": b_enc}

def reference(layer_idx, x, W_enc, b_enc):
    # encode_layer: pre_acts = relu(x @ W_enc + b_enc)
    pre_acts = jax.nn.relu(x @ W_enc + b_enc)
    flat = pre_acts.reshape(-1)
    k = TOP_K * x.shape[0]
    # BatchTopK: global top-k over the flattened [N*dict_size] activations
    vals, idx = jax.lax.top_k(flat, k)
    out = jnp.zeros_like(flat).at[idx].set(vals)
    return out.reshape(pre_acts.shape)

if __name__ == "__main__":
    import jax
    _d = setup_inputs()
    print(jax.jit(kernel)(*tuple(_d.values())))

</pallas_src>

<mosaic_0001>
#map = affine_map<(d0, d1) -> (0, 0)>
#map1 = affine_map<(d0, d1) -> (0)>
module attributes {stable_mosaic.version = 14 : i64} {
  func.func @_compact_body(%arg0: i32, %arg1: i32, %arg2: memref<4096x16384xf32, #tpu.memory_space<hbm>>, %arg3: memref<16xf32, #tpu.memory_space<hbm>>, %arg4: memref<32x32768xf32, #tpu.memory_space<hbm>>, %arg5: memref<32x16xi32, #tpu.memory_space<hbm>>, %arg6: memref<16xf32, #tpu.memory_space<vmem>>, %arg7: memref<2x2x16384xf32, #tpu.memory_space<vmem>>, %arg8: memref<32768xf32, #tpu.memory_space<vmem>>, %arg9: memref<16xi32, #tpu.memory_space<vmem>>, %arg10: memref<!tpu.dma_semaphore, #tpu.memory_space<semaphore_mem>>, %arg11: memref<!tpu.dma_semaphore, #tpu.memory_space<semaphore_mem>>) attributes {dimension_semantics = [#tpu.dimension_semantics<core_parallel>, #tpu.dimension_semantics<subcore_parallel>], iteration_bounds = array<i64: 2, 16>, scalar_prefetch = 0 : i64, scratch_operands = 6 : i64, tpu.core_type = #tpu.core_type<sc_vector_subcore>, window_params = [{transform_indices = #map}, {transform_indices = #map1}, {transform_indices = #map}, {transform_indices = #map}]} {
    %mul3A = arith.constant 2 : i32
    %mul3A_0 = arith.muli %arg1, %mul3A : i32
    %add3A = arith.addi %mul3A_0, %arg0 : i32
    %mul3A_1 = arith.constant 128 : i32
    %mul3A_2 = arith.muli %add3A, %mul3A_1 : i32
    "tpu.region"() ({
      %run_scoped3A = tpu.sem_alloc : memref<!tpu.dma_semaphore, #tpu.memory_space<semaphore_mem>>
      tpu.enqueue_dma source(%arg3 : memref<16xf32, #tpu.memory_space<hbm>>) target(%arg6 : memref<16xf32, #tpu.memory_space<vmem>>) target_semaphore(%run_scoped3A : memref<!tpu.dma_semaphore, #tpu.memory_space<semaphore_mem>>)
      tpu.wait_dma2 semaphore(%run_scoped3A : memref<!tpu.dma_semaphore, #tpu.memory_space<semaphore_mem>>) src(%arg3 : memref<16xf32, #tpu.memory_space<hbm>>) dst(%arg6 : memref<16xf32, #tpu.memory_space<vmem>>)
      tpu.yield
    }) : () -> ()
    %get3A = arith.constant 0 : index
    %get3A_3 = tpu.vector_load %arg6[%get3A] {strides = array<i32>} : memref<16xf32, #tpu.memory_space<vmem>>, vector<16xf32>,
    %iota3A = tpu.iota {dimensions = array<i32: 0>} : vector<16xi32>
    %mul3A_4 = arith.constant 256 : i32
    %mul3A_5 = vector.broadcast %mul3A_4 : i32 to vector<16xi32>
    %mul3A_6 = arith.muli %iota3A, %mul3A_5 : vector<16xi32>
    %add3A_7 = arith.constant 0 : i32
    %add3A_8 = vector.broadcast %add3A_7 : i32 to vector<16xi32>
    %add3A_9 = arith.addi %mul3A_6, %add3A_8 : vector<16xi32>
    %mul3A_10 = arith.constant 256 : i32
    %mul3A_11 = vector.broadcast %mul3A_10 : i32 to vector<16xi32>
    %mul3A_12 = arith.muli %iota3A, %mul3A_11 : vector<16xi32>
    %add3A_13 = arith.constant 4096 : i32
    %add3A_14 = vector.broadcast %add3A_13 : i32 to vector<16xi32>
    %add3A_15 = arith.addi %mul3A_12, %add3A_14 : vector<16xi32>
    %mul3A_16 = arith.constant 256 : i32
    %mul3A_17 = vector.broadcast %mul3A_16 : i32 to vector<16xi32>
    %mul3A_18 = arith.muli %iota3A, %mul3A_17 : vector<16xi32>
    %add3A_19 = arith.constant 8192 : i32
    %add3A_20 = vector.broadcast %add3A_19 : i32 to vector<16xi32>
    %add3A_21 = arith.addi %mul3A_18, %add3A_20 : vector<16xi32>
    %mul3A_22 = arith.constant 256 : i32
    %mul3A_23 = vector.broadcast %mul3A_22 : i32 to vector<16xi32>
    %mul3A_24 = arith.muli %iota3A, %mul3A_23 : vector<16xi32>
    %add3A_25 = arith.constant 12288 : i32
    %add3A_26 = vector.broadcast %add3A_25 : i32 to vector<16xi32>
    %add3A_27 = arith.addi %mul3A_24, %add3A_26 : vector<16xi32>
    %mul3A_28 = arith.constant 256 : i32
    %mul3A_29 = vector.broadcast %mul3A_28 : i32 to vector<16xi32>
    %mul3A_30 = arith.muli %iota3A, %mul3A_29 : vector<16xi32>
    %add3A_31 = arith.constant 16384 : i32
    %add3A_32 = vector.broadcast %add3A_31 : i32 to vector<16xi32>
    %add3A_33 = arith.addi %mul3A_30, %add3A_32 : vector<16xi32>
    %mul3A_34 = arith.constant 256 : i32
    %mul3A_35 = vector.broadcast %mul3A_34 : i32 to vector<16xi32>
    %mul3A_36 = arith.muli %iota3A, %mul3A_35 : vector<16xi32>
    %add3A_37 = arith.constant 20480 : i32
    %add3A_38 = vector.broadcast %add3A_37 : i32 to vector<16xi32>
    %add3A_39 = arith.addi %mul3A_36, %add3A_38 : vector<16xi32>
    %mul3A_40 = arith.constant 256 : i32
    %mul3A_41 = vector.broadcast %mul3A_40 : i32 to vector<16xi32>
    %mul3A_42 = arith.muli %iota3A, %mul3A_41 : vector<16xi32>
    %add3A_43 = arith.constant 24576 : i32
    %add3A_44 = vector.broadcast %add3A_43 : i32 to vector<16xi32>
    %add3A_45 = arith.addi %mul3A_42, %add3A_44 : vector<16xi32>
    %mul3A_46 = arith.constant 256 : i32
    %mul3A_47 = vector.broadcast %mul3A_46 : i32 to vector<16xi32>
    %mul3A_48 = arith.muli %iota3A, %mul3A_47 : vector<16xi32>
    %add3A_49 = arith.constant 28672 : i32
    %add3A_50 = vector.broadcast %add3A_49 : i32 to vector<16xi32>
    %add3A_51 = arith.addi %mul3A_48, %add3A_50 : vector<16xi32>
    %add3A_52 = arith.constant 255 : i32
    %add3A_53 = vector.broadcast %add3A_52 : i32 to vector<16xi32>
    %add3A_54 = arith.addi %add3A_9, %add3A_53 : vector<16xi32>
    %add3A_55 = arith.constant 255 : i32
    %add3A_56 = vector.broadcast %add3A_55 : i32 to vector<16xi32>
    %add3A_57 = arith.addi %add3A_15, %add3A_56 : vector<16xi32>
    %add3A_58 = arith.constant 255 : i32
    %add3A_59 = vector.broadcast %add3A_58 : i32 to vector<16xi32>
    %add3A_60 = arith.addi %add3A_21, %add3A_59 : vector<16xi32>
    %add3A_61 = arith.constant 255 : i32
    %add3A_62 = vector.broadcast %add3A_61 : i32 to vector<16xi32>
    %add3A_63 = arith.addi %add3A_27, %add3A_62 : vector<16xi32>
    %add3A_64 = arith.constant 255 : i32
    %add3A_65 = vector.broadcast %add3A_64 : i32 to vector<16xi32>
    %add3A_66 = arith.addi %add3A_33, %add3A_65 : vector<16xi32>
    %add3A_67 = arith.constant 255 : i32
    %add3A_68 = vector.broadcast %add3A_67 : i32 to vector<16xi32>
    %add3A_69 = arith.addi %add3A_39, %add3A_68 : vector<16xi32>
    %add3A_70 = arith.constant 255 : i32
    %add3A_71 = vector.broadcast %add3A_70 : i32 to vector<16xi32>
    %add3A_72 = arith.addi %add3A_45, %add3A_71 : vector<16xi32>
    %add3A_73 = arith.constant 255 : i32
    %add3A_74 = vector.broadcast %add3A_73 : i32 to vector<16xi32>
    %add3A_75 = arith.addi %add3A_51, %add3A_74 : vector<16xi32>
    %scan3A = arith.constant 0 : i32
    %scan3A_76 = arith.constant 0 : i32
    %scan3A_77 = arith.constant 256 : i32
    %scan3A_78 = arith.addi %scan3A_76, %scan3A_77 : i32
    %scan3A_79 = arith.constant 1 : i32
    scf.for %scan3A_133 = %scan3A_76 to %scan3A_78 step %scan3A_79  : i32 {
      %broadcast_in_dim3A = arith.constant 0.000000e+00 : f32
      %broadcast_in_dim3A_134 = vector.broadcast %broadcast_in_dim3A : f32 to vector<16xf32>
      %mul3A_135 = arith.constant 8 : i32
      %mul3A_136 = arith.muli %scan3A_133, %mul3A_135 : i32
      %add3A_137 = arith.constant 0 : i32
      %add3A_138 = arith.addi %mul3A_136, %add3A_137 : i32
      %mul3A_139 = arith.constant 16 : i32
      %mul3A_140 = arith.muli %add3A_138, %mul3A_139 : i32
      %swap3A_141 = arith.index_cast %mul3A_140 : i32 to index
      %swap3A_142 = tpu.vector_load %arg8[%swap3A_141] {strides = array<i32>} : memref<32768xf32, #tpu.memory_space<vmem>>, vector<16xf32>,
      tpu.vector_store %arg8[%swap3A_141], %broadcast_in_dim3A_134 {strides = array<i32>} : memref<32768xf32, #tpu.memory_space<vmem>>, vector<16xf32>,
      %broadcast_in_dim3A_143 = arith.constant 0.000000e+00 : f32
      %broadcast_in_dim3A_144 = vector.broadcast %broadcast_in_dim3A_143 : f32 to vector<16xf32>
      %mul3A_145 = arith.constant 8 : i32
      %mul3A_146 = arith.muli %scan3A_133, %mul3A_145 : i32
      %add3A_147 = arith.constant 1 : i32
      %add3A_148 = arith.addi %mul3A_146, %add3A_147 : i32
      %mul3A_149 = arith.constant 16 : i32
      %mul3A_150 = arith.muli %add3A_148, %mul3A_149 : i32
      %swap3A_151 = arith.index_cast %mul3A_150 : i32 to index
      %swap3A_152 = tpu.vector_load %arg8[%swap3A_151] {strides = array<i32>} : memref<32768xf32, #tpu.memory_space<vmem>>, vector<16xf32>,
      tpu.vector_store %arg8[%swap3A_151], %broadcast_in_dim3A_144 {strides = array<i32>} : memref<32768xf32, #tpu.memory_space<vmem>>, vector<16xf32>,
      %broadcast_in_dim3A_153 = arith.constant 0.000000e+00 : f32
      %broadcast_in_dim3A_154 = vector.broadcast %broadcast_in_dim3A_153 : f32 to vector<16xf32>
      %mul3A_155 = arith.constant 8 : i32
      %mul3A_156 = arith.muli %scan3A_133, %mul3A_155 : i32
      %add3A_157 = arith.constant 2 : i32
      %add3A_158 = arith.addi %mul3A_156, %add3A_157 : i32
      %mul3A_159 = arith.constant 16 : i32
      %mul3A_160 = arith.muli %add3A_158, %mul3A_159 : i32
      %swap3A_161 = arith.index_cast %mul3A_160 : i32 to index
      %swap3A_162 = tpu.vector_load %arg8[%swap3A_161] {strides = array<i32>} : memref<32768xf32, #tpu.memory_space<vmem>>, vector<16xf32>,
      tpu.vector_store %arg8[%swap3A_161], %broadcast_in_dim3A_154 {strides = array<i32>} : memref<32768xf32, #tpu.memory_space<vmem>>, vector<16xf32>,
      %broadcast_in_dim3A_163 = arith.constant 0.000000e+00 : f32
      %broadcast_in_dim3A_164 = vector.broadcast %broadcast_in_dim3A_163 : f32 to vector<16xf32>
      %mul3A_165 = arith.constant 8 : i32
      %mul3A_166 = arith.muli %scan3A_133, %mul3A_165 : i32
      %add3A_167 = arith.constant 3 : i32
      %add3A_168 = arith.addi %mul3A_166, %add3A_167 : i32
      %mul3A_169 = arith.constant 16 : i32
      %mul3A_170 = arith.muli %add3A_168, %mul3A_169 : i32
      %swap3A_171 = arith.index_cast %mul3A_170 : i32 to index
      %swap3A_172 = tpu.vector_load %arg8[%swap3A_171] {strides = array<i32>} : memref<32768xf32, #tpu.memory_space<vmem>>, vector<16xf32>,
      tpu.vector_store %arg8[%swap3A_171], %broadcast_in_dim3A_164 {strides = array<i32>} : memref<32768xf32, #tpu.memory_space<vmem>>, vector<16xf32>,
      %broadcast_in_dim3A_173 = arith.constant 0.000000e+00 : f32
      %broadcast_in_dim3A_174 = vector.broadcast %broadcast_in_dim3A_173 : f32 to vector<16xf32>
      %mul3A_175 = arith.constant 8 : i32
      %mul3A_176 = arith.muli %scan3A_133, %mul3A_175 : i32
      %add3A_177 = arith.constant 4 : i32
      %add3A_178 = arith.addi %mul3A_176, %add3A_177 : i32
      %mul3A_179 = arith.constant 16 : i32
      %mul3A_180 = arith.muli %add3A_178, %mul3A_179 : i32
      %swap3A_181 = arith.index_cast %mul3A_180 : i32 to index
      %swap3A_182 = tpu.vector_load %arg8[%swap3A_181] {strides = array<i32>} : memref<32768xf32, #tpu.memory_space<vmem>>, vector<16xf32>,
      tpu.vector_store %arg8[%swap3A_181], %broadcast_in_dim3A_174 {strides = array<i32>} : memref<32768xf32, #tpu.memory_space<vmem>>, vector<16xf32>,
      %broadcast_in_dim3A_183 = arith.constant 0.000000e+00 : f32
      %broadcast_in_dim3A_184 = vector.broadcast %broadcast_in_dim3A_183 : f32 to vector<16xf32>
      %mul3A_185 = arith.constant 8 : i32
      %mul3A_186 = arith.muli %scan3A_133, %mul3A_185 : i32
      %add3A_187 = arith.constant 5 : i32
      %add3A_188 = arith.addi %mul3A_186, %add3A_187 : i32
      %mul3A_189 = arith.constant 16 : i32
      %mul3A_190 = arith.muli %add3A_188, %mul3A_189 : i32
      %swap3A_191 = arith.index_cast %mul3A_190 : i32 to index
      %swap3A_192 = tpu.vector_load %arg8[%swap3A_191] {strides = array<i32>} : memref<32768xf32, #tpu.memory_space<vmem>>, vector<16xf32>,
      tpu.vector_store %arg8[%swap3A_191], %broadcast_in_dim3A_184 {strides = array<i32>} : memref<32768xf32, #tpu.memory_space<vmem>>, vector<16xf32>,
      %broadcast_in_dim3A_193 = arith.constant 0.000000e+00 : f32
      %broadcast_in_dim3A_194 = vector.broadcast %broadcast_in_dim3A_193 : f32 to vector<16xf32>
      %mul3A_195 = arith.constant 8 : i32
      %mul3A_196 = arith.muli %scan3A_133, %mul3A_195 : i32
      %add3A_197 = arith.constant 6 : i32
      %add3A_198 = arith.addi %mul3A_196, %add3A_197 : i32
      %mul3A_199 = arith.constant 16 : i32
      %mul3A_200 = arith.muli %add3A_198, %mul3A_199 : i32
      %swap3A_201 = arith.index_cast %mul3A_200 : i32 to index
      %swap3A_202 = tpu.vector_load %arg8[%swap3A_201] {strides = array<i32>} : memref<32768xf32, #tpu.memory_space<vmem>>, vector<16xf32>,
      tpu.vector_store %arg8[%swap3A_201], %broadcast_in_dim3A_194 {strides = array<i32>} : memref<32768xf32, #tpu.memory_space<vmem>>, vector<16xf32>,
      %broadcast_in_dim3A_203 = arith.constant 0.000000e+00 : f32
      %broadcast_in_dim3A_204 = vector.broadcast %broadcast_in_dim3A_203 : f32 to vector<16xf32>
      %mul3A_205 = arith.constant 8 : i32
      %mul3A_206 = arith.muli %scan3A_133, %mul3A_205 : i32
      %add3A_207 = arith.constant 7 : i32
      %add3A_208 = arith.addi %mul3A_206, %add3A_207 : i32
      %mul3A_209 = arith.constant 16 : i32
      %mul3A_210 = arith.muli %add3A_208, %mul3A_209 : i32
      %swap3A_211 = arith.index_cast %mul3A_210 : i32 to index
      %swap3A_212 = tpu.vector_load %arg8[%swap3A_211] {strides = array<i32>} : memref<32768xf32, #tpu.memory_space<vmem>>, vector<16xf32>,
      tpu.vector_store %arg8[%swap3A_211], %broadcast_in_dim3A_204 {strides = array<i32>} : memref<32768xf32, #tpu.memory_space<vmem>>, vector<16xf32>,
    }
    %scan3A_80 = arith.constant 256 : i32
    %add3A_81 = arith.constant 0 : i32
    %add3A_82 = arith.addi %mul3A_2, %add3A_81 : i32
    %dma_start3A = arith.constant 0 : i32
    %dma_start3A_83 = arith.constant 0 : i32
    %dma_start3A_84 = arith.constant 0 : i32
    %dma_start3A_85 = tpu.memref_slice %arg7[%dma_start3A, %dma_start3A_83, %dma_start3A_84] : memref<2x2x16384xf32, #tpu.memory_space<vmem>> -> memref<1x2x16384xf32, #tpu.memory_space<vmem>>
    %dma_start3A_86 = tpu.memref_squeeze %dma_start3A_85 : memref<1x2x16384xf32, #tpu.memory_space<vmem>> -> memref<2x16384xf32, #tpu.memory_space<vmem>>
    %dma_start3A_87 = arith.constant 0 : i32
    %dma_start3A_88 = tpu.memref_slice %arg2[%add3A_82, %dma_start3A_87] : memref<4096x16384xf32, #tpu.memory_space<hbm>> -> memref<2x16384xf32, #tpu.memory_space<hbm>>
    %dma_start3A_89 = arith.constant 0 : i32
    %dma_start3A_90 = arith.constant 0 : i32
    %dma_start3A_91 = tpu.memref_slice %arg7[%dma_start3A, %dma_start3A_89, %dma_start3A_90] : memref<2x2x16384xf32, #tpu.memory_space<vmem>> -> memref<1x2x16384xf32, #tpu.memory_space<vmem>>
    %dma_start3A_92 = tpu.memref_squeeze %dma_start3A_91 : memref<1x2x16384xf32, #tpu.memory_space<vmem>> -> memref<2x16384xf32, #tpu.memory_space<vmem>>
    %dma_start3A_93 = arith.constant 0 : i32
    %dma_start3A_94 = tpu.memref_slice %arg2[%add3A_82, %dma_start3A_93] : memref<4096x16384xf32, #tpu.memory_space<hbm>> -> memref<2x16384xf32, #tpu.memory_space<hbm>>
    tpu.enqueue_dma source(%dma_start3A_94 : memref<2x16384xf32, #tpu.memory_space<hbm>>) target(%dma_start3A_92 : memref<2x16384xf32, #tpu.memory_space<vmem>>) target_semaphore(%arg10 : memref<!tpu.dma_semaphore, #tpu.memory_space<semaphore_mem>>)
    %add3A_95 = arith.constant 2 : i32
    %add3A_96 = arith.addi %mul3A_2, %add3A_95 : i32
    %dma_start3A_97 = arith.constant 1 : i32
    %dma_start3A_98 = arith.constant 0 : i32
    %dma_start3A_99 = arith.constant 0 : i32
    %dma_start3A_100 = tpu.memref_slice %arg7[%dma_start3A_97, %dma_start3A_98, %dma_start3A_99] : memref<2x2x16384xf32, #tpu.memory_space<vmem>> -> memref<1x2x16384xf32, #tpu.memory_space<vmem>>
    %dma_start3A_101 = tpu.memref_squeeze %dma_start3A_100 : memref<1x2x16384xf32, #tpu.memory_space<vmem>> -> memref<2x16384xf32, #tpu.memory_space<vmem>>
    %dma_start3A_102 = arith.constant 0 : i32
    %dma_start3A_103 = tpu.memref_slice %arg2[%add3A_96, %dma_start3A_102] : memref<4096x16384xf32, #tpu.memory_space<hbm>> -> memref<2x16384xf32, #tpu.memory_space<hbm>>
    %dma_start3A_104 = arith.constant 0 : i32
    %dma_start3A_105 = arith.constant 0 : i32
    %dma_start3A_106 = tpu.memref_slice %arg7[%dma_start3A_97, %dma_start3A_104, %dma_start3A_105] : memref<2x2x16384xf32, #tpu.memory_space<vmem>> -> memref<1x2x16384xf32, #tpu.memory_space<vmem>>
    %dma_start3A_107 = tpu.memref_squeeze %dma_start3A_106 : memref<1x2x16384xf32, #tpu.memory_space<vmem>> -> memref<2x16384xf32, #tpu.memory_space<vmem>>
    %dma_start3A_108 = arith.constant 0 : i32
    %dma_start3A_109 = tpu.memref_slice %arg2[%add3A_96, %dma_start3A_108] : memref<4096x16384xf32, #tpu.memory_space<hbm>> -> memref<2x16384xf32, #tpu.memory_space<hbm>>
    tpu.enqueue_dma source(%dma_start3A_109 : memref<2x16384xf32, #tpu.memory_space<hbm>>) target(%dma_start3A_107 : memref<2x16384xf32, #tpu.memory_space<vmem>>) target_semaphore(%arg11 : memref<!tpu.dma_semaphore, #tpu.memory_space<semaphore_mem>>)
    %scan3A_110 = arith.constant 0 : i32
    %scan3A_111 = arith.constant 32 : i32
    %scan3A_112 = arith.addi %scan3A_110, %scan3A_111 : i32
    %scan3A_113 = arith.constant 1 : i32
    %scan3A_114:8 = scf.for %scan3A_133 = %scan3A_110 to %scan3A_112 step %scan3A_113 iter_args(%scan3A_134 = %add3A_9, %scan3A_135 = %add3A_15, %scan3A_136 = %add3A_21, %scan3A_137 = %add3A_27, %scan3A_138 = %add3A_33, %scan3A_139 = %add3A_39, %scan3A_140 = %add3A_45, %scan3A_141 = %add3A_51) -> (vector<16xi32>, vector<16xi32>, vector<16xi32>, vector<16xi32>, vector<16xi32>, vector<16xi32>, vector<16xi32>, vector<16xi32>)  : i32 {
      %mul3A_142 = arith.constant 2 : i32
      %mul3A_143 = arith.muli %scan3A_133, %mul3A_142 : i32
      %add3A_144 = arith.constant 0 : i32
      %add3A_145 = arith.addi %mul3A_143, %add3A_144 : i32
      %mul3A_146 = arith.constant 2 : i32
      %mul3A_147 = arith.muli %add3A_145, %mul3A_146 : i32
      %add3A_148 = arith.addi %mul3A_2, %mul3A_147 : i32
      %dma_wait3A = arith.constant 0 : i32
      %dma_wait3A_149 = arith.constant 0 : i32
      %dma_wait3A_150 = arith.constant 0 : i32
      %dma_wait3A_151 = tpu.memref_slice %arg7[%dma_wait3A, %dma_wait3A_149, %dma_wait3A_150] : memref<2x2x16384xf32, #tpu.memory_space<vmem>> -> memref<1x2x16384xf32, #tpu.memory_space<vmem>>
      %dma_wait3A_152 = tpu.memref_squeeze %dma_wait3A_151 : memref<1x2x16384xf32, #tpu.memory_space<vmem>> -> memref<2x16384xf32, #tpu.memory_space<vmem>>
      %dma_wait3A_153 = arith.constant 0 : i32
      %dma_wait3A_154 = tpu.memref_slice %arg2[%add3A_148, %dma_wait3A_153] : memref<4096x16384xf32, #tpu.memory_space<hbm>> -> memref<2x16384xf32, #tpu.memory_space<hbm>>
      %dma_wait3A_155 = arith.constant 0 : i32
      %dma_wait3A_156 = arith.constant 0 : i32
      %dma_wait3A_157 = tpu.memref_slice %arg7[%dma_wait3A, %dma_wait3A_155, %dma_wait3A_156] : memref<2x2x16384xf32, #tpu.memory_space<vmem>> -> memref<1x2x16384xf32, #tpu.memory_space<vmem>>
      %dma_wait3A_158 = tpu.memref_squeeze %dma_wait3A_157 : memref<1x2x16384xf32, #tpu.memory_space<vmem>> -> memref<2x16384xf32, #tpu.memory_space<vmem>>
      %dma_wait3A_159 = arith.constant 0 : i32
      %dma_wait3A_160 = tpu.memref_slice %arg2[%add3A_148, %dma_wait3A_159] : memref<4096x16384xf32, #tpu.memory_space<hbm>> -> memref<2x16384xf32, #tpu.memory_space<hbm>>
      tpu.wait_dma2 semaphore(%arg10 : memref<!tpu.dma_semaphore, #tpu.memory_space<semaphore_mem>>) src(%dma_wait3A_160 : memref<2x16384xf32, #tpu.memory_space<hbm>>) dst(%dma_wait3A_158 : memref<2x16384xf32, #tpu.memory_space<vmem>>)
      %scan3A_161 = arith.constant 0 : i32
      %scan3A_162 = arith.constant 128 : i32
      %scan3A_163 = arith.addi %scan3A_161, %scan3A_162 : i32
      %scan3A_164 = arith.constant 1 : i32
      %scan3A_165:8 = scf.for %scan3A_216 = %scan3A_161 to %scan3A_163 step %scan3A_164 iter_args(%scan3A_217 = %scan3A_134, %scan3A_218 = %scan3A_135, %scan3A_219 = %scan3A_136, %scan3A_220 = %scan3A_137, %scan3A_221 = %scan3A_138, %scan3A_222 = %scan3A_139, %scan3A_223 = %scan3A_140, %scan3A_224 = %scan3A_141) -> (vector<16xi32>, vector<16xi32>, vector<16xi32>, vector<16xi32>, vector<16xi32>, vector<16xi32>, vector<16xi32>, vector<16xi32>)  : i32 {
        %mul3A_225 = arith.constant 8 : i32
        %mul3A_226 = arith.muli %scan3A_216, %mul3A_225 : i32
        %add3A_227 = arith.constant 0 : i32
        %add3A_228 = arith.addi %mul3A_226, %add3A_227 : i32
        %mul3A_229 = arith.constant 16 : i32
        %mul3A_230 = arith.muli %add3A_228, %mul3A_229 : i32
        %get3A_231 = arith.constant 0 : i32
        %get3A_232 = arith.constant 0 : i32
        %get3A_233 = arith.index_cast %get3A_231 : i32 to index
        %get3A_234 = arith.index_cast %get3A_232 : i32 to index
        %get3A_235 = arith.index_cast %mul3A_230 : i32 to index
        %get3A_236 = tpu.vector_load %arg7[%get3A_233, %get3A_234, %get3A_235] {strides = array<i32>} : memref<2x2x16384xf32, #tpu.memory_space<vmem>>, vector<16xf32>,
        %ge3A = arith.cmpf oge, %get3A_236, %get3A_3 : vector<16xf32>
        %min3A = arith.minsi %scan3A_217, %add3A_54 : vector<16xi32>
        tpu.vector_store_idx %arg8[%min3A], %get3A_236 masked %ge3A : memref<32768xf32, #tpu.memory_space<vmem>>[vector<16xi32>], vector<16xf32>, vector<16xi1>
        %convert_element_type3A_237 = arith.extui %ge3A : vector<16xi1> to vector<16xi32>
        %add3A_238 = arith.addi %scan3A_217, %convert_element_type3A_237 : vector<16xi32>
        %mul3A_239 = arith.constant 8 : i32
        %mul3A_240 = arith.muli %scan3A_216, %mul3A_239 : i32
        %add3A_241 = arith.constant 1 : i32
        %add3A_242 = arith.addi %mul3A_240, %add3A_241 : i32
        %mul3A_243 = arith.constant 16 : i32
        %mul3A_244 = arith.muli %add3A_242, %mul3A_243 : i32
        %get3A_245 = arith.constant 0 : i32
        %get3A_246 = arith.constant 0 : i32
        %get3A_247 = arith.index_cast %get3A_245 : i32 to index
        %get3A_248 = arith.index_cast %get3A_246 : i32 to index
        %get3A_249 = arith.index_cast %mul3A_244 : i32 to index
        %get3A_250 = tpu.vector_load %arg7[%get3A_247, %get3A_248, %get3A_249] {strides = array<i32>} : memref<2x2x16384xf32, #tpu.memory_space<vmem>>, vector<16xf32>,
        %ge3A_251 = arith.cmpf oge, %get3A_250, %get3A_3 : vector<16xf32>
        %min3A_252 = arith.minsi %scan3A_218, %add3A_57 : vector<16xi32>
        tpu.vector_store_idx %arg8[%min3A_252], %get3A_250 masked %ge3A_251 : memref<32768xf32, #tpu.memory_space<vmem>>[vector<16xi32>], vector<16xf32>, vector<16xi1>
        %convert_element_type3A_253 = arith.extui %ge3A_251 : vector<16xi1> to vector<16xi32>
        %add3A_254 = arith.addi %scan3A_218, %convert_element_type3A_253 : vector<16xi32>
        %mul3A_255 = arith.constant 8 : i32
        %mul3A_256 = arith.muli %scan3A_216, %mul3A_255 : i32
        %add3A_257 = arith.constant 2 : i32
        %add3A_258 = arith.addi %mul3A_256, %add3A_257 : i32
        %mul3A_259 = arith.constant 16 : i32
        %mul3A_260 = arith.muli %add3A_258, %mul3A_259 : i32
        %get3A_261 = arith.constant 0 : i32
        %get3A_262 = arith.constant 0 : i32
        %get3A_263 = arith.index_cast %get3A_261 : i32 to index
        %get3A_264 = arith.index_cast %get3A_262 : i32 to index
        %get3A_265 = arith.index_cast %mul3A_260 : i32 to index
        %get3A_266 = tpu.vector_load %arg7[%get3A_263, %get3A_264, %get3A_265] {strides = array<i32>} : memref<2x2x16384xf32, #tpu.memory_space<vmem>>, vector<16xf32>,
        %ge3A_267 = arith.cmpf oge, %get3A_266, %get3A_3 : vector<16xf32>
        %min3A_268 = arith.minsi %scan3A_219, %add3A_60 : vector<16xi32>
        tpu.vector_store_idx %arg8[%min3A_268], %get3A_266 masked %ge3A_267 : memref<32768xf32, #tpu.memory_space<vmem>>[vector<16xi32>], vector<16xf32>, vector<16xi1>
        %convert_element_type3A_269 = arith.extui %ge3A_267 : vector<16xi1> to vector<16xi32>
        %add3A_270 = arith.addi %scan3A_219, %convert_element_type3A_269 : vector<16xi32>
        %mul3A_271 = arith.constant 8 : i32
        %mul3A_272 = arith.muli %scan3A_216, %mul3A_271 : i32
        %add3A_273 = arith.constant 3 : i32
        %add3A_274 = arith.addi %mul3A_272, %add3A_273 : i32
        %mul3A_275 = arith.constant 16 : i32
        %mul3A_276 = arith.muli %add3A_274, %mul3A_275 : i32
        %get3A_277 = arith.constant 0 : i32
        %get3A_278 = arith.constant 0 : i32
        %get3A_279 = arith.index_cast %get3A_277 : i32 to index
        %get3A_280 = arith.index_cast %get3A_278 : i32 to index
        %get3A_281 = arith.index_cast %mul3A_276 : i32 to index
        %get3A_282 = tpu.vector_load %arg7[%get3A_279, %get3A_280, %get3A_281] {strides = array<i32>} : memref<2x2x16384xf32, #tpu.memory_space<vmem>>, vector<16xf32>,
        %ge3A_283 = arith.cmpf oge, %get3A_282, %get3A_3 : vector<16xf32>
        %min3A_284 = arith.minsi %scan3A_220, %add3A_63 : vector<16xi32>
        tpu.vector_store_idx %arg8[%min3A_284], %get3A_282 masked %ge3A_283 : memref<32768xf32, #tpu.memory_space<vmem>>[vector<16xi32>], vector<16xf32>, vector<16xi1>
        %convert_element_type3A_285 = arith.extui %ge3A_283 : vector<16xi1> to vector<16xi32>
        %add3A_286 = arith.addi %scan3A_220, %convert_element_type3A_285 : vector<16xi32>
        %mul3A_287 = arith.constant 8 : i32
        %mul3A_288 = arith.muli %scan3A_216, %mul3A_287 : i32
        %add3A_289 = arith.constant 4 : i32
        %add3A_290 = arith.addi %mul3A_288, %add3A_289 : i32
        %mul3A_291 = arith.constant 16 : i32
        %mul3A_292 = arith.muli %add3A_290, %mul3A_291 : i32
        %get3A_293 = arith.constant 0 : i32
        %get3A_294 = arith.constant 0 : i32
        %get3A_295 = arith.index_cast %get3A_293 : i32 to index
        %get3A_296 = arith.index_cast %get3A_294 : i32 to index
        %get3A_297 = arith.index_cast %mul3A_292 : i32 to index
        %get3A_298 = tpu.vector_load %arg7[%get3A_295, %get3A_296, %get3A_297] {strides = array<i32>} : memref<2x2x16384xf32, #tpu.memory_space<vmem>>, vector<16xf32>,
        %ge3A_299 = arith.cmpf oge, %get3A_298, %get3A_3 : vector<16xf32>
        %min3A_300 = arith.minsi %scan3A_221, %add3A_66 : vector<16xi32>
        tpu.vector_store_idx %arg8[%min3A_300], %get3A_298 masked %ge3A_299 : memref<32768xf32, #tpu.memory_space<vmem>>[vector<16xi32>], vector<16xf32>, vector<16xi1>
        %convert_element_type3A_301 = arith.extui %ge3A_299 : vector<16xi1> to vector<16xi32>
        %add3A_302 = arith.addi %scan3A_221, %convert_element_type3A_301 : vector<16xi32>
        %mul3A_303 = arith.constant 8 : i32
        %mul3A_304 = arith.muli %scan3A_216, %mul3A_303 : i32
        %add3A_305 = arith.constant 5 : i32
        %add3A_306 = arith.addi %mul3A_304, %add3A_305 : i32
        %mul3A_307 = arith.constant 16 : i32
        %mul3A_308 = arith.muli %add3A_306, %mul3A_307 : i32
        %get3A_309 = arith.constant 0 : i32
        %get3A_310 = arith.constant 0 : i32
        %get3A_311 = arith.index_cast %get3A_309 : i32 to index
        %get3A_312 = arith.index_cast %get3A_310 : i32 to index
        %get3A_313 = arith.index_cast %mul3A_308 : i32 to index
        %get3A_314 = tpu.vector_load %arg7[%get3A_311, %get3A_312, %get3A_313] {strides = array<i32>} : memref<2x2x16384xf32, #tpu.memory_space<vmem>>, vector<16xf32>,
        %ge3A_315 = arith.cmpf oge, %get3A_314, %get3A_3 : vector<16xf32>
        %min3A_316 = arith.minsi %scan3A_222, %add3A_69 : vector<16xi32>
        tpu.vector_store_idx %arg8[%min3A_316], %get3A_314 masked %ge3A_315 : memref<32768xf32, #tpu.memory_space<vmem>>[vector<16xi32>], vector<16xf32>, vector<16xi1>
        %convert_element_type3A_317 = arith.extui %ge3A_315 : vector<16xi1> to vector<16xi32>
        %add3A_318 = arith.addi %scan3A_222, %convert_element_type3A_317 : vector<16xi32>
        %mul3A_319 = arith.constant 8 : i32
        %mul3A_320 = arith.muli %scan3A_216, %mul3A_319 : i32
        %add3A_321 = arith.constant 6 : i32
        %add3A_322 = arith.addi %mul3A_320, %add3A_321 : i32
        %mul3A_323 = arith.constant 16 : i32
        %mul3A_324 = arith.muli %add3A_322, %mul3A_323 : i32
        %get3A_325 = arith.constant 0 : i32
        %get3A_326 = arith.constant 0 : i32
        %get3A_327 = arith.index_cast %get3A_325 : i32 to index
        %get3A_328 = arith.index_cast %get3A_326 : i32 to index
        %get3A_329 = arith.index_cast %mul3A_324 : i32 to index
        %get3A_330 = tpu.vector_load %arg7[%get3A_327, %get3A_328, %get3A_329] {strides = array<i32>} : memref<2x2x16384xf32, #tpu.memory_space<vmem>>, vector<16xf32>,
        %ge3A_331 = arith.cmpf oge, %get3A_330, %get3A_3 : vector<16xf32>
        %min3A_332 = arith.minsi %scan3A_223, %add3A_72 : vector<16xi32>
        tpu.vector_store_idx %arg8[%min3A_332], %get3A_330 masked %ge3A_331 : memref<32768xf32, #tpu.memory_space<vmem>>[vector<16xi32>], vector<16xf32>, vector<16xi1>
        %convert_element_type3A_333 = arith.extui %ge3A_331 : vector<16xi1> to vector<16xi32>
        %add3A_334 = arith.addi %scan3A_223, %convert_element_type3A_333 : vector<16xi32>
        %mul3A_335 = arith.constant 8 : i32
        %mul3A_336 = arith.muli %scan3A_216, %mul3A_335 : i32
        %add3A_337 = arith.constant 7 : i32
        %add3A_338 = arith.addi %mul3A_336, %add3A_337 : i32
        %mul3A_339 = arith.constant 16 : i32
        %mul3A_340 = arith.muli %add3A_338, %mul3A_339 : i32
        %get3A_341 = arith.constant 0 : i32
        %get3A_342 = arith.constant 0 : i32
        %get3A_343 = arith.index_cast %get3A_341 : i32 to index
        %get3A_344 = arith.index_cast %get3A_342 : i32 to index
        %get3A_345 = arith.index_cast %mul3A_340 : i32 to index
        %get3A_346 = tpu.vector_load %arg7[%get3A_343, %get3A_344, %get3A_345] {strides = array<i32>} : memref<2x2x16384xf32, #tpu.memory_space<vmem>>, vector<16xf32>,
        %ge3A_347 = arith.cmpf oge, %get3A_346, %get3A_3 : vector<16xf32>
        %min3A_348 = arith.minsi %scan3A_224, %add3A_75 : vector<16xi32>
        tpu.vector_store_idx %arg8[%min3A_348], %get3A_346 masked %ge3A_347 : memref<32768xf32, #tpu.memory_space<vmem>>[vector<16xi32>], vector<16xf32>, vector<16xi1>
        %convert_element_type3A_349 = arith.extui %ge3A_347 : vector<16xi1> to vector<16xi32>
        %add3A_350 = arith.addi %scan3A_224, %convert_element_type3A_349 : vector<16xi32>
        scf.yield %add3A_238, %add3A_254, %add3A_270, %add3A_286, %add3A_302, %add3A_318, %add3A_334, %add3A_350 : vector<16xi32>, vector<16xi32>, vector<16xi32>, vector<16xi32>, vector<16xi32>, vector<16xi32>, vector<16xi32>, vector<16xi32>
      }
      %scan3A_166 = arith.constant 128 : i32
      %scan3A_167 = arith.constant 0 : i32
      %scan3A_168 = arith.constant 128 : i32
      %scan3A_169 = arith.addi %scan3A_167, %scan3A_168 : i32
      %scan3A_170 = arith.constant 1 : i32
      %scan3A_171:8 = scf.for %scan3A_216 = %scan3A_167 to %scan3A_169 step %scan3A_170 iter_args(%scan3A_217 = %scan3A_165#0, %scan3A_218 = %scan3A_165#1, %scan3A_219 = %scan3A_165#2, %scan3A_220 = %scan3A_165#3, %scan3A_221 = %scan3A_165#4, %scan3A_222 = %scan3A_165#5, %scan3A_223 = %scan3A_165#6, %scan3A_224 = %scan3A_165#7) -> (vector<16xi32>, vector<16xi32>, vector<16xi32>, vector<16xi32>, vector<16xi32>, vector<16xi32>, vector<16xi32>, vector<16xi32>)  : i32 {
        %mul3A_225 = arith.constant 8 : i32
        %mul3A_226 = arith.muli %scan3A_216, %mul3A_225 : i32
        %add3A_227 = arith.constant 0 : i32
        %add3A_228 = arith.addi %mul3A_226, %add3A_227 : i32
        %mul3A_229 = arith.constant 16 : i32
        %mul3A_230 = arith.muli %add3A_228, %mul3A_229 : i32
        %get3A_231 = arith.constant 0 : i32
        %get3A_232 = arith.constant 1 : i32
        %get3A_233 = arith.index_cast %get3A_231 : i32 to index
        %get3A_234 = arith.index_cast %get3A_232 : i32 to index
        %get3A_235 = arith.index_cast %mul3A_230 : i32 to index
        %get3A_236 = tpu.vector_load %arg7[%get3A_233, %get3A_234, %get3A_235] {strides = array<i32>} : memref<2x2x16384xf32, #tpu.memory_space<vmem>>, vector<16xf32>,
        %ge3A = arith.cmpf oge, %get3A_236, %get3A_3 : vector<16xf32>
        %min3A = arith.minsi %scan3A_217, %add3A_54 : vector<16xi32>
        tpu.vector_store_idx %arg8[%min3A], %get3A_236 masked %ge3A : memref<32768xf32, #tpu.memory_space<vmem>>[vector<16xi32>], vector<16xf32>, vector<16xi1>
        %convert_element_type3A_237 = arith.extui %ge3A : vector<16xi1> to vector<16xi32>
        %add3A_238 = arith.addi %scan3A_217, %convert_element_type3A_237 : vector<16xi32>
        %mul3A_239 = arith.constant 8 : i32
        %mul3A_240 = arith.muli %scan3A_216, %mul3A_239 : i32
        %add3A_241 = arith.constant 1 : i32
        %add3A_242 = arith.addi %mul3A_240, %add3A_241 : i32
        %mul3A_243 = arith.constant 16 : i32
        %mul3A_244 = arith.muli %add3A_242, %mul3A_243 : i32
        %get3A_245 = arith.constant 0 : i32
        %get3A_246 = arith.constant 1 : i32
        %get3A_247 = arith.index_cast %get3A_245 : i32 to index
        %get3A_248 = arith.index_cast %get3A_246 : i32 to index
        %get3A_249 = arith.index_cast %mul3A_244 : i32 to index
        %get3A_250 = tpu.vector_load %arg7[%get3A_247, %get3A_248, %get3A_249] {strides = array<i32>} : memref<2x2x16384xf32, #tpu.memory_space<vmem>>, vector<16xf32>,
        %ge3A_251 = arith.cmpf oge, %get3A_250, %get3A_3 : vector<16xf32>
        %min3A_252 = arith.minsi %scan3A_218, %add3A_57 : vector<16xi32>
        tpu.vector_store_idx %arg8[%min3A_252], %get3A_250 masked %ge3A_251 : memref<32768xf32, #tpu.memory_space<vmem>>[vector<16xi32>], vector<16xf32>, vector<16xi1>
        %convert_element_type3A_253 = arith.extui %ge3A_251 : vector<16xi1> to vector<16xi32>
        %add3A_254 = arith.addi %scan3A_218, %convert_element_type3A_253 : vector<16xi32>
        %mul3A_255 = arith.constant 8 : i32
        %mul3A_256 = arith.muli %scan3A_216, %mul3A_255 : i32
        %add3A_257 = arith.constant 2 : i32
        %add3A_258 = arith.addi %mul3A_256, %add3A_257 : i32
        %mul3A_259 = arith.constant 16 : i32
        %mul3A_260 = arith.muli %add3A_258, %mul3A_259 : i32
        %get3A_261 = arith.constant 0 : i32
        %get3A_262 = arith.constant 1 : i32
        %get3A_263 = arith.index_cast %get3A_261 : i32 to index
        %get3A_264 = arith.index_cast %get3A_262 : i32 to index
        %get3A_265 = arith.index_cast %mul3A_260 : i32 to index
        %get3A_266 = tpu.vector_load %arg7[%get3A_263, %get3A_264, %get3A_265] {strides = array<i32>} : memref<2x2x16384xf32, #tpu.memory_space<vmem>>, vector<16xf32>,
        %ge3A_267 = arith.cmpf oge, %get3A_266, %get3A_3 : vector<16xf32>
        %min3A_268 = arith.minsi %scan3A_219, %add3A_60 : vector<16xi32>
        tpu.vector_store_idx %arg8[%min3A_268], %get3A_266 masked %ge3A_267 : memref<32768xf32, #tpu.memory_space<vmem>>[vector<16xi32>], vector<16xf32>, vector<16xi1>
        %convert_element_type3A_269 = arith.extui %ge3A_267 : vector<16xi1> to vector<16xi32>
        %add3A_270 = arith.addi %scan3A_219, %convert_element_type3A_269 : vector<16xi32>
        %mul3A_271 = arith.constant 8 : i32
        %mul3A_272 = arith.muli %scan3A_216, %mul3A_271 : i32
        %add3A_273 = arith.constant 3 : i32
        %add3A_274 = arith.addi %mul3A_272, %add3A_273 : i32
        %mul3A_275 = arith.constant 16 : i32
        %mul3A_276 = arith.muli %add3A_274, %mul3A_275 : i32
        %get3A_277 = arith.constant 0 : i32
        %get3A_278 = arith.constant 1 : i32
        %get3A_279 = arith.index_cast %get3A_277 : i32 to index
        %get3A_280 = arith.index_cast %get3A_278 : i32 to index
        %get3A_281 = arith.index_cast %mul3A_276 : i32 to index
        %get3A_282 = tpu.vector_load %arg7[%get3A_279, %get3A_280, %get3A_281] {strides = array<i32>} : memref<2x2x16384xf32, #tpu.memory_space<vmem>>, vector<16xf32>,
        %ge3A_283 = arith.cmpf oge, %get3A_282, %get3A_3 : vector<16xf32>
        %min3A_284 = arith.minsi %scan3A_220, %add3A_63 : vector<16xi32>
        tpu.vector_store_idx %arg8[%min3A_284], %get3A_282 masked %ge3A_283 : memref<32768xf32, #tpu.memory_space<vmem>>[vector<16xi32>], vector<16xf32>, vector<16xi1>
        %convert_element_type3A_285 = arith.extui %ge3A_283 : vector<16xi1> to vector<16xi32>
        %add3A_286 = arith.addi %scan3A_220, %convert_element_type3A_285 : vector<16xi32>
        %mul3A_287 = arith.constant 8 : i32
        %mul3A_288 = arith.muli %scan3A_216, %mul3A_287 : i32
        %add3A_289 = arith.constant 4 : i32
        %add3A_290 = arith.addi %mul3A_288, %add3A_289 : i32
        %mul3A_291 = arith.constant 16 : i32
        %mul3A_292 = arith.muli %add3A_290, %mul3A_291 : i32
        %get3A_293 = arith.constant 0 : i32
        %get3A_294 = arith.constant 1 : i32
        %get3A_295 = arith.index_cast %get3A_293 : i32 to index
        %get3A_296 = arith.index_cast %get3A_294 : i32 to index
        %get3A_297 = arith.index_cast %mul3A_292 : i32 to index
        %get3A_298 = tpu.vector_load %arg7[%get3A_295, %get3A_296, %get3A_297] {strides = array<i32>} : memref<2x2x16384xf32, #tpu.memory_space<vmem>>, vector<16xf32>,
        %ge3A_299 = arith.cmpf oge, %get3A_298, %get3A_3 : vector<16xf32>
        %min3A_300 = arith.minsi %scan3A_221, %add3A_66 : vector<16xi32>
        tpu.vector_store_idx %arg8[%min3A_300], %get3A_298 masked %ge3A_299 : memref<32768xf32, #tpu.memory_space<vmem>>[vector<16xi32>], vector<16xf32>, vector<16xi1>
        %convert_element_type3A_301 = arith.extui %ge3A_299 : vector<16xi1> to vector<16xi32>
        %add3A_302 = arith.addi %scan3A_221, %convert_element_type3A_301 : vector<16xi32>
        %mul3A_303 = arith.constant 8 : i32
        %mul3A_304 = arith.muli %scan3A_216, %mul3A_303 : i32
        %add3A_305 = arith.constant 5 : i32
        %add3A_306 = arith.addi %mul3A_304, %add3A_305 : i32
        %mul3A_307 = arith.constant 16 : i32
        %mul3A_308 = arith.muli %add3A_306, %mul3A_307 : i32
        %get3A_309 = arith.constant 0 : i32
        %get3A_310 = arith.constant 1 : i32
        %get3A_311 = arith.index_cast %get3A_309 : i32 to index
        %get3A_312 = arith.index_cast %get3A_310 : i32 to index
        %get3A_313 = arith.index_cast %mul3A_308 : i32 to index
        %get3A_314 = tpu.vector_load %arg7[%get3A_311, %get3A_312, %get3A_313] {strides = array<i32>} : memref<2x2x16384xf32, #tpu.memory_space<vmem>>, vector<16xf32>,
        %ge3A_315 = arith.cmpf oge, %get3A_314, %get3A_3 : vector<16xf32>
        %min3A_316 = arith.minsi %scan3A_222, %add3A_69 : vector<16xi32>
        tpu.vector_store_idx %arg8[%min3A_316], %get3A_314 masked %ge3A_315 : memref<32768xf32, #tpu.memory_space<vmem>>[vector<16xi32>], vector<16xf32>, vector<16xi1>
        %convert_element_type3A_317 = arith.extui %ge3A_315 : vector<16xi1> to vector<16xi32>
        %add3A_318 = arith.addi %scan3A_222, %convert_element_type3A_317 : vector<16xi32>
        %mul3A_319 = arith.constant 8 : i32
        %mul3A_320 = arith.muli %scan3A_216, %mul3A_319 : i32
        %add3A_321 = arith.constant 6 : i32
        %add3A_322 = arith.addi %mul3A_320, %add3A_321 : i32
        %mul3A_323 = arith.constant 16 : i32
        %mul3A_324 = arith.muli %add3A_322, %mul3A_323 : i32
        %get3A_325 = arith.constant 0 : i32
        %get3A_326 = arith.constant 1 : i32
        %get3A_327 = arith.index_cast %get3A_325 : i32 to index
        %get3A_328 = arith.index_cast %get3A_326 : i32 to index
        %get3A_329 = arith.index_cast %mul3A_324 : i32 to index
        %get3A_330 = tpu.vector_load %arg7[%get3A_327, %get3A_328, %get3A_329] {strides = array<i32>} : memref<2x2x16384xf32, #tpu.memory_space<vmem>>, vector<16xf32>,
        %ge3A_331 = arith.cmpf oge, %get3A_330, %get3A_3 : vector<16xf32>
        %min3A_332 = arith.minsi %scan3A_223, %add3A_72 : vector<16xi32>
        tpu.vector_store_idx %arg8[%min3A_332], %get3A_330 masked %ge3A_331 : memref<32768xf32, #tpu.memory_space<vmem>>[vector<16xi32>], vector<16xf32>, vector<16xi1>
        %convert_element_type3A_333 = arith.extui %ge3A_331 : vector<16xi1> to vector<16xi32>
        %add3A_334 = arith.addi %scan3A_223, %convert_element_type3A_333 : vector<16xi32>
        %mul3A_335 = arith.constant 8 : i32
        %mul3A_336 = arith.muli %scan3A_216, %mul3A_335 : i32
        %add3A_337 = arith.constant 7 : i32
        %add3A_338 = arith.addi %mul3A_336, %add3A_337 : i32
        %mul3A_339 = arith.constant 16 : i32
        %mul3A_340 = arith.muli %add3A_338, %mul3A_339 : i32
        %get3A_341 = arith.constant 0 : i32
        %get3A_342 = arith.constant 1 : i32
        %get3A_343 = arith.index_cast %get3A_341 : i32 to index
        %get3A_344 = arith.index_cast %get3A_342 : i32 to index
        %get3A_345 = arith.index_cast %mul3A_340 : i32 to index
        %get3A_346 = tpu.vector_load %arg7[%get3A_343, %get3A_344, %get3A_345] {strides = array<i32>} : memref<2x2x16384xf32, #tpu.memory_space<vmem>>, vector<16xf32>,
        %ge3A_347 = arith.cmpf oge, %get3A_346, %get3A_3 : vector<16xf32>
        %min3A_348 = arith.minsi %scan3A_224, %add3A_75 : vector<16xi32>
        tpu.vector_store_idx %arg8[%min3A_348], %get3A_346 masked %ge3A_347 : memref<32768xf32, #tpu.memory_space<vmem>>[vector<16xi32>], vector<16xf32>, vector<16xi1>
        %convert_element_type3A_349 = arith.extui %ge3A_347 : vector<16xi1> to vector<16xi32>
        %add3A_350 = arith.addi %scan3A_224, %convert_element_type3A_349 : vector<16xi32>
        scf.yield %add3A_238, %add3A_254, %add3A_270, %add3A_286, %add3A_302, %add3A_318, %add3A_334, %add3A_350 : vector<16xi32>, vector<16xi32>, vector<16xi32>, vector<16xi32>, vector<16xi32>, vector<16xi32>, vector<16xi32>, vector<16xi32>
      }
      %scan3A_172 = arith.constant 128 : i32
      %add3A_173 = arith.constant 2 : i32
      %add3A_174 = arith.addi %add3A_145, %add3A_173 : i32
      %lt3A = arith.constant 64 : i32
      %lt3A_175 = arith.cmpi slt, %add3A_174, %lt3A : i32
      %convert_element_type3A = arith.extui %lt3A_175 : i1 to i32
      %cond3A = arith.constant 0 : i32
      %cond3A_176 = arith.cmpi ne, %convert_element_type3A, %cond3A : i32
      scf.if %cond3A_176 {
        %add3A_216 = arith.constant 2 : i32
        %add3A_217 = arith.addi %add3A_145, %add3A_216 : i32
        %mul3A_218 = arith.constant 2 : i32
        %mul3A_219 = arith.muli %add3A_217, %mul3A_218 : i32
        %add3A_220 = arith.addi %mul3A_2, %mul3A_219 : i32
        %dma_start3A_221 = arith.constant 0 : i32
        %dma_start3A_222 = arith.constant 0 : i32
        %dma_start3A_223 = arith.constant 0 : i32
        %dma_start3A_224 = tpu.memref_slice %arg7[%dma_start3A_221, %dma_start3A_222, %dma_start3A_223] : memref<2x2x16384xf32, #tpu.memory_space<vmem>> -> memref<1x2x16384xf32, #tpu.memory_space<vmem>>
        %dma_start3A_225 = tpu.memref_squeeze %dma_start3A_224 : memref<1x2x16384xf32, #tpu.memory_space<vmem>> -> memref<2x16384xf32, #tpu.memory_space<vmem>>
        %dma_start3A_226 = arith.constant 0 : i32
        %dma_start3A_227 = tpu.memref_slice %arg2[%add3A_220, %dma_start3A_226] : memref<4096x16384xf32, #tpu.memory_space<hbm>> -> memref<2x16384xf32, #tpu.memory_space<hbm>>
        %dma_start3A_228 = arith.constant 0 : i32
        %dma_start3A_229 = arith.constant 0 : i32
        %dma_start3A_230 = tpu.memref_slice %arg7[%dma_start3A_221, %dma_start3A_228, %dma_start3A_229] : memref<2x2x16384xf32, #tpu.memory_space<vmem>> -> memref<1x2x16384xf32, #tpu.memory_space<vmem>>
        %dma_start3A_231 = tpu.memref_squeeze %dma_start3A_230 : memref<1x2x16384xf32, #tpu.memory_space<vmem>> -> memref<2x16384xf32, #tpu.memory_space<vmem>>
        %dma_start3A_232 = arith.constant 0 : i32
        %dma_start3A_233 = tpu.memref_slice %arg2[%add3A_220, %dma_start3A_232] : memref<4096x16384xf32, #tpu.memory_space<hbm>> -> memref<2x16384xf32, #tpu.memory_space<hbm>>
        tpu.enqueue_dma source(%dma_start3A_233 : memref<2x16384xf32, #tpu.memory_space<hbm>>) target(%dma_start3A_231 : memref<2x16384xf32, #tpu.memory_space<vmem>>) target_semaphore(%arg10 : memref<!tpu.dma_semaphore, #tpu.memory_space<semaphore_mem>>)
      } else {
      }
      %mul3A_177 = arith.constant 2 : i32
      %mul3A_178 = arith.muli %scan3A_133, %mul3A_177 : i32
      %add3A_179 = arith.constant 1 : i32
      %add3A_180 = arith.addi %mul3A_178, %add3A_179 : i32
      %mul3A_181 = arith.constant 2 : i32
      %mul3A_182 = arith.muli %add3A_180, %mul3A_181 : i32
      %add3A_183 = arith.addi %mul3A_2, %mul3A_182 : i32
      %dma_wait3A_184 = arith.constant 1 : i32
      %dma_wait3A_185 = arith.constant 0 : i32
      %dma_wait3A_186 = arith.constant 0 : i32
      %dma_wait3A_187 = tpu.memref_slice %arg7[%dma_wait3A_184, %dma_wait3A_185, %dma_wait3A_186] : memref<2x2x16384xf32, #tpu.memory_space<vmem>> -> memref<1x2x16384xf32, #tpu.memory_space<vmem>>
      %dma_wait3A_188 = tpu.memref_squeeze %dma_wait3A_187 : memref<1x2x16384xf32, #tpu.memory_space<vmem>> -> memref<2x16384xf32, #tpu.memory_space<vmem>>
      %dma_wait3A_189 = arith.constant 0 : i32
      %dma_wait3A_190 = tpu.memref_slice %arg2[%add3A_183, %dma_wait3A_189] : memref<4096x16384xf32, #tpu.memory_space<hbm>> -> memref<2x16384xf32, #tpu.memory_space<hbm>>
      %dma_wait3A_191 = arith.constant 0 : i32
      %dma_wait3A_192 = arith.constant 0 : i32
      %dma_wait3A_193 = tpu.memref_slice %arg7[%dma_wait3A_184, %dma_wait3A_191, %dma_wait3A_192] : memref<2x2x16384xf32, #tpu.memory_space<vmem>> -> memref<1x2x16384xf32, #tpu.memory_space<vmem>>
      %dma_wait3A_194 = tpu.memref_squeeze %dma_wait3A_193 : memref<1x2x16384xf32, #tpu.memory_space<vmem>> -> memref<2x16384xf32, #tpu.memory_space<vmem>>
      %dma_wait3A_195 = arith.constant 0 : i32
      %dma_wait3A_196 = tpu.memref_slice %arg2[%add3A_183, %dma_wait3A_195] : memref<4096x16384xf32, #tpu.memory_space<hbm>> -> memref<2x16384xf32, #tpu.memory_space<hbm>>
      tpu.wait_dma2 semaphore(%arg11 : memref<!tpu.dma_semaphore, #tpu.memory_space<semaphore_mem>>) src(%dma_wait3A_196 : memref<2x16384xf32, #tpu.memory_space<hbm>>) dst(%dma_wait3A_194 : memref<2x16384xf32, #tpu.memory_space<vmem>>)
      %scan3A_197 = arith.constant 0 : i32
      %scan3A_198 = arith.constant 128 : i32
      %scan3A_199 = arith.addi %scan3A_197, %scan3A_198 : i32
      %scan3A_200 = arith.constant 1 : i32
      %scan3A_201:8 = scf.for %scan3A_216 = %scan3A_197 to %scan3A_199 step %scan3A_200 iter_args(%scan3A_217 = %scan3A_171#0, %scan3A_218 = %scan3A_171#1, %scan3A_219 = %scan3A_171#2, %scan3A_220 = %scan3A_171#3, %scan3A_221 = %scan3A_171#4, %scan3A_222 = %scan3A_171#5, %scan3A_223 = %scan3A_171#6, %scan3A_224 = %scan3A_171#7) -> (vector<16xi32>, vector<16xi32>, vector<16xi32>, vector<16xi32>, vector<16xi32>, vector<16xi32>, vector<16xi32>, vector<16xi32>)  : i32 {
        %mul3A_225 = arith.constant 8 : i32
        %mul3A_226 = arith.muli %scan3A_216, %mul3A_225 : i32
        %add3A_227 = arith.constant 0 : i32
        %add3A_228 = arith.addi %mul3A_226, %add3A_227 : i32
        %mul3A_229 = arith.constant 16 : i32
        %mul3A_230 = arith.muli %add3A_228, %mul3A_229 : i32
        %get3A_231 = arith.constant 1 : i32
        %get3A_232 = arith.constant 0 : i32
        %get3A_233 = arith.index_cast %get3A_231 : i32 to index
        %get3A_234 = arith.index_cast %get3A_232 : i32 to index
        %get3A_235 = arith.index_cast %mul3A_230 : i32 to index
        %get3A_236 = tpu.vector_load %arg7[%get3A_233, %get3A_234, %get3A_235] {strides = array<i32>} : memref<2x2x16384xf32, #tpu.memory_space<vmem>>, vector<16xf32>,
        %ge3A = arith.cmpf oge, %get3A_236, %get3A_3 : vector<16xf32>
        %min3A = arith.minsi %scan3A_217, %add3A_54 : vector<16xi32>
        tpu.vector_store_idx %arg8[%min3A], %get3A_236 masked %ge3A : memref<32768xf32, #tpu.memory_space<vmem>>[vector<16xi32>], vector<16xf32>, vector<16xi1>
        %convert_element_type3A_237 = arith.extui %ge3A : vector<16xi1> to vector<16xi32>
        %add3A_238 = arith.addi %scan3A_217, %convert_element_type3A_237 : vector<16xi32>
        %mul3A_239 = arith.constant 8 : i32
        %mul3A_240 = arith.muli %scan3A_216, %mul3A_239 : i32
        %add3A_241 = arith.constant 1 : i32
        %add3A_242 = arith.addi %mul3A_240, %add3A_241 : i32
        %mul3A_243 = arith.constant 16 : i32
        %mul3A_244 = arith.muli %add3A_242, %mul3A_243 : i32
        %get3A_245 = arith.constant 1 : i32
        %get3A_246 = arith.constant 0 : i32
        %get3A_247 = arith.index_cast %get3A_245 : i32 to index
        %get3A_248 = arith.index_cast %get3A_246 : i32 to index
        %get3A_249 = arith.index_cast %mul3A_244 : i32 to index
        %get3A_250 = tpu.vector_load %arg7[%get3A_247, %get3A_248, %get3A_249] {strides = array<i32>} : memref<2x2x16384xf32, #tpu.memory_space<vmem>>, vector<16xf32>,
        %ge3A_251 = arith.cmpf oge, %get3A_250, %get3A_3 : vector<16xf32>
        %min3A_252 = arith.minsi %scan3A_218, %add3A_57 : vector<16xi32>
        tpu.vector_store_idx %arg8[%min3A_252], %get3A_250 masked %ge3A_251 : memref<32768xf32, #tpu.memory_space<vmem>>[vector<16xi32>], vector<16xf32>, vector<16xi1>
        %convert_element_type3A_253 = arith.extui %ge3A_251 : vector<16xi1> to vector<16xi32>
        %add3A_254 = arith.addi %scan3A_218, %convert_element_type3A_253 : vector<16xi32>
        %mul3A_255 = arith.constant 8 : i32
        %mul3A_256 = arith.muli %scan3A_216, %mul3A_255 : i32
        %add3A_257 = arith.constant 2 : i32
        %add3A_258 = arith.addi %mul3A_256, %add3A_257 : i32
        %mul3A_259 = arith.constant 16 : i32
        %mul3A_260 = arith.muli %add3A_258, %mul3A_259 : i32
        %get3A_261 = arith.constant 1 : i32
        %get3A_262 = arith.constant 0 : i32
        %get3A_263 = arith.index_cast %get3A_261 : i32 to index
        %get3A_264 = arith.index_cast %get3A_262 : i32 to index
        %get3A_265 = arith.index_cast %mul3A_260 : i32 to index
        %get3A_266 = tpu.vector_load %arg7[%get3A_263, %get3A_264, %get3A_265] {strides = array<i32>} : memref<2x2x16384xf32, #tpu.memory_space<vmem>>, vector<16xf32>,
        %ge3A_267 = arith.cmpf oge, %get3A_266, %get3A_3 : vector<16xf32>
        %min3A_268 = arith.minsi %scan3A_219, %add3A_60 : vector<16xi32>
        tpu.vector_store_idx %arg8[%min3A_268], %get3A_266 masked %ge3A_267 : memref<32768xf32, #tpu.memory_space<vmem>>[vector<16xi32>], vector<16xf32>, vector<16xi1>
        %convert_element_type3A_269 = arith.extui %ge3A_267 : vector<16xi1> to vector<16xi32>
        %add3A_270 = arith.addi %scan3A_219, %convert_element_type3A_269 : vector<16xi32>
        %mul3A_271 = arith.constant 8 : i32
        %mul3A_272 = arith.muli %scan3A_216, %mul3A_271 : i32
        %add3A_273 = arith.constant 3 : i32
        %add3A_274 = arith.addi %mul3A_272, %add3A_273 : i32
        %mul3A_275 = arith.constant 16 : i32
        %mul3A_276 = arith.muli %add3A_274, %mul3A_275 : i32
        %get3A_277 = arith.constant 1 : i32
        %get3A_278 = arith.constant 0 : i32
        %get3A_279 = arith.index_cast %get3A_277 : i32 to index
        %get3A_280 = arith.index_cast %get3A_278 : i32 to index
        %get3A_281 = arith.index_cast %mul3A_276 : i32 to index
        %get3A_282 = tpu.vector_load %arg7[%get3A_279, %get3A_280, %get3A_281] {strides = array<i32>} : memref<2x2x16384xf32, #tpu.memory_space<vmem>>, vector<16xf32>,
        %ge3A_283 = arith.cmpf oge, %get3A_282, %get3A_3 : vector<16xf32>
        %min3A_284 = arith.minsi %scan3A_220, %add3A_63 : vector<16xi32>
        tpu.vector_store_idx %arg8[%min3A_284], %get3A_282 masked %ge3A_283 : memref<32768xf32, #tpu.memory_space<vmem>>[vector<16xi32>], vector<16xf32>, vector<16xi1>
        %convert_element_type3A_285 = arith.extui %ge3A_283 : vector<16xi1> to vector<16xi32>
        %add3A_286 = arith.addi %scan3A_220, %convert_element_type3A_285 : vector<16xi32>
        %mul3A_287 = arith.constant 8 : i32
        %mul3A_288 = arith.muli %scan3A_216, %mul3A_287 : i32
        %add3A_289 = arith.constant 4 : i32
        %add3A_290 = arith.addi %mul3A_288, %add3A_289 : i32
        %mul3A_291 = arith.constant 16 : i32
        %mul3A_292 = arith.muli %add3A_290, %mul3A_291 : i32
        %get3A_293 = arith.constant 1 : i32
        %get3A_294 = arith.constant 0 : i32
        %get3A_295 = arith.index_cast %get3A_293 : i32 to index
        %get3A_296 = arith.index_cast %get3A_294 : i32 to index
        %get3A_297 = arith.index_cast %mul3A_292 : i32 to index
        %get3A_298 = tpu.vector_load %arg7[%get3A_295, %get3A_296, %get3A_297] {strides = array<i32>} : memref<2x2x16384xf32, #tpu.memory_space<vmem>>, vector<16xf32>,
        %ge3A_299 = arith.cmpf oge, %get3A_298, %get3A_3 : vector<16xf32>
        %min3A_300 = arith.minsi %scan3A_221, %add3A_66 : vector<16xi32>
        tpu.vector_store_idx %arg8[%min3A_300], %get3A_298 masked %ge3A_299 : memref<32768xf32, #tpu.memory_space<vmem>>[vector<16xi32>], vector<16xf32>, vector<16xi1>
        %convert_element_type3A_301 = arith.extui %ge3A_299 : vector<16xi1> to vector<16xi32>
        %add3A_302 = arith.addi %scan3A_221, %convert_element_type3A_301 : vector<16xi32>
        %mul3A_303 = arith.constant 8 : i32
        %mul3A_304 = arith.muli %scan3A_216, %mul3A_303 : i32
        %add3A_305 = arith.constant 5 : i32
        %add3A_306 = arith.addi %mul3A_304, %add3A_305 : i32
        %mul3A_307 = arith.constant 16 : i32
        %mul3A_308 = arith.muli %add3A_306, %mul3A_307 : i32
        %get3A_309 = arith.constant 1 : i32
        %get3A_310 = arith.constant 0 : i32
        %get3A_311 = arith.index_cast %get3A_309 : i32 to index
        %get3A_312 = arith.index_cast %get3A_310 : i32 to index
        %get3A_313 = arith.index_cast %mul3A_308 : i32 to index
        %get3A_314 = tpu.vector_load %arg7[%get3A_311, %get3A_312, %get3A_313] {strides = array<i32>} : memref<2x2x16384xf32, #tpu.memory_space<vmem>>, vector<16xf32>,
        %ge3A_315 = arith.cmpf oge, %get3A_314, %get3A_3 : vector<16xf32>
        %min3A_316 = arith.minsi %scan3A_222, %add3A_69 : vector<16xi32>
        tpu.vector_store_idx %arg8[%min3A_316], %get3A_314 masked %ge3A_315 : memref<32768xf32, #tpu.memory_space<vmem>>[vector<16xi32>], vector<16xf32>, vector<16xi1>
        %convert_element_type3A_317 = arith.extui %ge3A_315 : vector<16xi1> to vector<16xi32>
        %add3A_318 = arith.addi %scan3A_222, %convert_element_type3A_317 : vector<16xi32>
        %mul3A_319 = arith.constant 8 : i32
        %mul3A_320 = arith.muli %scan3A_216, %mul3A_319 : i32
        %add3A_321 = arith.constant 6 : i32
        %add3A_322 = arith.addi %mul3A_320, %add3A_321 : i32
        %mul3A_323 = arith.constant 16 : i32
        %mul3A_324 = arith.muli %add3A_322, %mul3A_323 : i32
        %get3A_325 = arith.constant 1 : i32
        %get3A_326 = arith.constant 0 : i32
        %get3A_327 = arith.index_cast %get3A_325 : i32 to index
        %get3A_328 = arith.index_cast %get3A_326 : i32 to index
        %get3A_329 = arith.index_cast %mul3A_324 : i32 to index
        %get3A_330 = tpu.vector_load %arg7[%get3A_327, %get3A_328, %get3A_329] {strides = array<i32>} : memref<2x2x16384xf32, #tpu.memory_space<vmem>>, vector<16xf32>,
        %ge3A_331 = arith.cmpf oge, %get3A_330, %get3A_3 : vector<16xf32>
        %min3A_332 = arith.minsi %scan3A_223, %add3A_72 : vector<16xi32>
        tpu.vector_store_idx %arg8[%min3A_332], %get3A_330 masked %ge3A_331 : memref<32768xf32, #tpu.memory_space<vmem>>[vector<16xi32>], vector<16xf32>, vector<16xi1>
        %convert_element_type3A_333 = arith.extui %ge3A_331 : vector<16xi1> to vector<16xi32>
        %add3A_334 = arith.addi %scan3A_223, %convert_element_type3A_333 : vector<16xi32>
        %mul3A_335 = arith.constant 8 : i32
        %mul3A_336 = arith.muli %scan3A_216, %mul3A_335 : i32
        %add3A_337 = arith.constant 7 : i32
        %add3A_338 = arith.addi %mul3A_336, %add3A_337 : i32
        %mul3A_339 = arith.constant 16 : i32
        %mul3A_340 = arith.muli %add3A_338, %mul3A_339 : i32
        %get3A_341 = arith.constant 1 : i32
        %get3A_342 = arith.constant 0 : i32
        %get3A_343 = arith.index_cast %get3A_341 : i32 to index
        %get3A_344 = arith.index_cast %get3A_342 : i32 to index
        %get3A_345 = arith.index_cast %mul3A_340 : i32 to index
        %get3A_346 = tpu.vector_load %arg7[%get3A_343, %get3A_344, %get3A_345] {strides = array<i32>} : memref<2x2x16384xf32, #tpu.memory_space<vmem>>, vector<16xf32>,
        %ge3A_347 = arith.cmpf oge, %get3A_346, %get3A_3 : vector<16xf32>
        %min3A_348 = arith.minsi %scan3A_224, %add3A_75 : vector<16xi32>
        tpu.vector_store_idx %arg8[%min3A_348], %get3A_346 masked %ge3A_347 : memref<32768xf32, #tpu.memory_space<vmem>>[vector<16xi32>], vector<16xf32>, vector<16xi1>
        %convert_element_type3A_349 = arith.extui %ge3A_347 : vector<16xi1> to vector<16xi32>
        %add3A_350 = arith.addi %scan3A_224, %convert_element_type3A_349 : vector<16xi32>
        scf.yield %add3A_238, %add3A_254, %add3A_270, %add3A_286, %add3A_302, %add3A_318, %add3A_334, %add3A_350 : vector<16xi32>, vector<16xi32>, vector<16xi32>, vector<16xi32>, vector<16xi32>, vector<16xi32>, vector<16xi32>, vector<16xi32>
      }
      %scan3A_202 = arith.constant 128 : i32
      %scan3A_203 = arith.constant 0 : i32
      %scan3A_204 = arith.constant 128 : i32
      %scan3A_205 = arith.addi %scan3A_203, %scan3A_204 : i32
      %scan3A_206 = arith.constant 1 : i32
      %scan3A_207:8 = scf.for %scan3A_216 = %scan3A_203 to %scan3A_205 step %scan3A_206 iter_args(%scan3A_217 = %scan3A_201#0, %scan3A_218 = %scan3A_201#1, %scan3A_219 = %scan3A_201#2, %scan3A_220 = %scan3A_201#3, %scan3A_221 = %scan3A_201#4, %scan3A_222 = %scan3A_201#5, %scan3A_223 = %scan3A_201#6, %scan3A_224 = %scan3A_201#7) -> (vector<16xi32>, vector<16xi32>, vector<16xi32>, vector<16xi32>, vector<16xi32>, vector<16xi32>, vector<16xi32>, vector<16xi32>)  : i32 {
        %mul3A_225 = arith.constant 8 : i32
        %mul3A_226 = arith.muli %scan3A_216, %mul3A_225 : i32
        %add3A_227 = arith.constant 0 : i32
        %add3A_228 = arith.addi %mul3A_226, %add3A_227 : i32
        %mul3A_229 = arith.constant 16 : i32
        %mul3A_230 = arith.muli %add3A_228, %mul3A_229 : i32
        %get3A_231 = arith.constant 1 : i32
        %get3A_232 = arith.constant 1 : i32
        %get3A_233 = arith.index_cast %get3A_231 : i32 to index
        %get3A_234 = arith.index_cast %get3A_232 : i32 to index
        %get3A_235 = arith.index_cast %mul3A_230 : i32 to index
        %get3A_236 = tpu.vector_load %arg7[%get3A_233, %get3A_234, %get3A_235] {strides = array<i32>} : memref<2x2x16384xf32, #tpu.memory_space<vmem>>, vector<16xf32>,
        %ge3A = arith.cmpf oge, %get3A_236, %get3A_3 : vector<16xf32>
        %min3A = arith.minsi %scan3A_217, %add3A_54 : vector<16xi32>
        tpu.vector_store_idx %arg8[%min3A], %get3A_236 masked %ge3A : memref<32768xf32, #tpu.memory_space<vmem>>[vector<16xi32>], vector<16xf32>, vector<16xi1>
        %convert_element_type3A_237 = arith.extui %ge3A : vector<16xi1> to vector<16xi32>
        %add3A_238 = arith.addi %scan3A_217, %convert_element_type3A_237 : vector<16xi32>
        %mul3A_239 = arith.constant 8 : i32
        %mul3A_240 = arith.muli %scan3A_216, %mul3A_239 : i32
        %add3A_241 = arith.constant 1 : i32
        %add3A_242 = arith.addi %mul3A_240, %add3A_241 : i32
        %mul3A_243 = arith.constant 16 : i32
        %mul3A_244 = arith.muli %add3A_242, %mul3A_243 : i32
        %get3A_245 = arith.constant 1 : i32
        %get3A_246 = arith.constant 1 : i32
        %get3A_247 = arith.index_cast %get3A_245 : i32 to index
        %get3A_248 = arith.index_cast %get3A_246 : i32 to index
        %get3A_249 = arith.index_cast %mul3A_244 : i32 to index
        %get3A_250 = tpu.vector_load %arg7[%get3A_247, %get3A_248, %get3A_249] {strides = array<i32>} : memref<2x2x16384xf32, #tpu.memory_space<vmem>>, vector<16xf32>,
        %ge3A_251 = arith.cmpf oge, %get3A_250, %get3A_3 : vector<16xf32>
        %min3A_252 = arith.minsi %scan3A_218, %add3A_57 : vector<16xi32>
        tpu.vector_store_idx %arg8[%min3A_252], %get3A_250 masked %ge3A_251 : memref<32768xf32, #tpu.memory_space<vmem>>[vector<16xi32>], vector<16xf32>, vector<16xi1>
        %convert_element_type3A_253 = arith.extui %ge3A_251 : vector<16xi1> to vector<16xi32>
        %add3A_254 = arith.addi %scan3A_218, %convert_element_type3A_253 : vector<16xi32>
        %mul3A_255 = arith.constant 8 : i32
        %mul3A_256 = arith.muli %scan3A_216, %mul3A_255 : i32
        %add3A_257 = arith.constant 2 : i32
        %add3A_258 = arith.addi %mul3A_256, %add3A_257 : i32
        %mul3A_259 = arith.constant 16 : i32
        %mul3A_260 = arith.muli %add3A_258, %mul3A_259 : i32
        %get3A_261 = arith.constant 1 : i32
        %get3A_262 = arith.constant 1 : i32
        %get3A_263 = arith.index_cast %get3A_261 : i32 to index
        %get3A_264 = arith.index_cast %get3A_262 : i32 to index
        %get3A_265 = arith.index_cast %mul3A_260 : i32 to index
        %get3A_266 = tpu.vector_load %arg7[%get3A_263, %get3A_264, %get3A_265] {strides = array<i32>} : memref<2x2x16384xf32, #tpu.memory_space<vmem>>, vector<16xf32>,
        %ge3A_267 = arith.cmpf oge, %get3A_266, %get3A_3 : vector<16xf32>
        %min3A_268 = arith.minsi %scan3A_219, %add3A_60 : vector<16xi32>
        tpu.vector_store_idx %arg8[%min3A_268], %get3A_266 masked %ge3A_267 : memref<32768xf32, #tpu.memory_space<vmem>>[vector<16xi32>], vector<16xf32>, vector<16xi1>
        %convert_element_type3A_269 = arith.extui %ge3A_267 : vector<16xi1> to vector<16xi32>
        %add3A_270 = arith.addi %scan3A_219, %convert_element_type3A_269 : vector<16xi32>
        %mul3A_271 = arith.constant 8 : i32
        %mul3A_272 = arith.muli %scan3A_216, %mul3A_271 : i32
        %add3A_273 = arith.constant 3 : i32
        %add3A_274 = arith.addi %mul3A_272, %add3A_273 : i32
        %mul3A_275 = arith.constant 16 : i32
        %mul3A_276 = arith.muli %add3A_274, %mul3A_275 : i32
        %get3A_277 = arith.constant 1 : i32
        %get3A_278 = arith.constant 1 : i32
        %get3A_279 = arith.index_cast %get3A_277 : i32 to index
        %get3A_280 = arith.index_cast %get3A_278 : i32 to index
        %get3A_281 = arith.index_cast %mul3A_276 : i32 to index
        %get3A_282 = tpu.vector_load %arg7[%get3A_279, %get3A_280, %get3A_281] {strides = array<i32>} : memref<2x2x16384xf32, #tpu.memory_space<vmem>>, vector<16xf32>,
        %ge3A_283 = arith.cmpf oge, %get3A_282, %get3A_3 : vector<16xf32>
        %min3A_284 = arith.minsi %scan3A_220, %add3A_63 : vector<16xi32>
        tpu.vector_store_idx %arg8[%min3A_284], %get3A_282 masked %ge3A_283 : memref<32768xf32, #tpu.memory_space<vmem>>[vector<16xi32>], vector<16xf32>, vector<16xi1>
        %convert_element_type3A_285 = arith.extui %ge3A_283 : vector<16xi1> to vector<16xi32>
        %add3A_286 = arith.addi %scan3A_220, %convert_element_type3A_285 : vector<16xi32>
        %mul3A_287 = arith.constant 8 : i32
        %mul3A_288 = arith.muli %scan3A_216, %mul3A_287 : i32
        %add3A_289 = arith.constant 4 : i32
        %add3A_290 = arith.addi %mul3A_288, %add3A_289 : i32
        %mul3A_291 = arith.constant 16 : i32
        %mul3A_292 = arith.muli %add3A_290, %mul3A_291 : i32
        %get3A_293 = arith.constant 1 : i32
        %get3A_294 = arith.constant 1 : i32
        %get3A_295 = arith.index_cast %get3A_293 : i32 to index
        %get3A_296 = arith.index_cast %get3A_294 : i32 to index
        %get3A_297 = arith.index_cast %mul3A_292 : i32 to index
        %get3A_298 = tpu.vector_load %arg7[%get3A_295, %get3A_296, %get3A_297] {strides = array<i32>} : memref<2x2x16384xf32, #tpu.memory_space<vmem>>, vector<16xf32>,
        %ge3A_299 = arith.cmpf oge, %get3A_298, %get3A_3 : vector<16xf32>
        %min3A_300 = arith.minsi %scan3A_221, %add3A_66 : vector<16xi32>
        tpu.vector_store_idx %arg8[%min3A_300], %get3A_298 masked %ge3A_299 : memref<32768xf32, #tpu.memory_space<vmem>>[vector<16xi32>], vector<16xf32>, vector<16xi1>
        %convert_element_type3A_301 = arith.extui %ge3A_299 : vector<16xi1> to vector<16xi32>
        %add3A_302 = arith.addi %scan3A_221, %convert_element_type3A_301 : vector<16xi32>
        %mul3A_303 = arith.constant 8 : i32
        %mul3A_304 = arith.muli %scan3A_216, %mul3A_303 : i32
        %add3A_305 = arith.constant 5 : i32
        %add3A_306 = arith.addi %mul3A_304, %add3A_305 : i32
        %mul3A_307 = arith.constant 16 : i32
        %mul3A_308 = arith.muli %add3A_306, %mul3A_307 : i32
        %get3A_309 = arith.constant 1 : i32
        %get3A_310 = arith.constant 1 : i32
        %get3A_311 = arith.index_cast %get3A_309 : i32 to index
        %get3A_312 = arith.index_cast %get3A_310 : i32 to index
        %get3A_313 = arith.index_cast %mul3A_308 : i32 to index
        %get3A_314 = tpu.vector_load %arg7[%get3A_311, %get3A_312, %get3A_313] {strides = array<i32>} : memref<2x2x16384xf32, #tpu.memory_space<vmem>>, vector<16xf32>,
        %ge3A_315 = arith.cmpf oge, %get3A_314, %get3A_3 : vector<16xf32>
        %min3A_316 = arith.minsi %scan3A_222, %add3A_69 : vector<16xi32>
        tpu.vector_store_idx %arg8[%min3A_316], %get3A_314 masked %ge3A_315 : memref<32768xf32, #tpu.memory_space<vmem>>[vector<16xi32>], vector<16xf32>, vector<16xi1>
        %convert_element_type3A_317 = arith.extui %ge3A_315 : vector<16xi1> to vector<16xi32>
        %add3A_318 = arith.addi %scan3A_222, %convert_element_type3A_317 : vector<16xi32>
        %mul3A_319 = arith.constant 8 : i32
        %mul3A_320 = arith.muli %scan3A_216, %mul3A_319 : i32
        %add3A_321 = arith.constant 6 : i32
        %add3A_322 = arith.addi %mul3A_320, %add3A_321 : i32
        %mul3A_323 = arith.constant 16 : i32
        %mul3A_324 = arith.muli %add3A_322, %mul3A_323 : i32
        %get3A_325 = arith.constant 1 : i32
        %get3A_326 = arith.constant 1 : i32
        %get3A_327 = arith.index_cast %get3A_325 : i32 to index
        %get3A_328 = arith.index_cast %get3A_326 : i32 to index
        %get3A_329 = arith.index_cast %mul3A_324 : i32 to index
        %get3A_330 = tpu.vector_load %arg7[%get3A_327, %get3A_328, %get3A_329] {strides = array<i32>} : memref<2x2x16384xf32, #tpu.memory_space<vmem>>, vector<16xf32>,
        %ge3A_331 = arith.cmpf oge, %get3A_330, %get3A_3 : vector<16xf32>
        %min3A_332 = arith.minsi %scan3A_223, %add3A_72 : vector<16xi32>
        tpu.vector_store_idx %arg8[%min3A_332], %get3A_330 masked %ge3A_331 : memref<32768xf32, #tpu.memory_space<vmem>>[vector<16xi32>], vector<16xf32>, vector<16xi1>
        %convert_element_type3A_333 = arith.extui %ge3A_331 : vector<16xi1> to vector<16xi32>
        %add3A_334 = arith.addi %scan3A_223, %convert_element_type3A_333 : vector<16xi32>
        %mul3A_335 = arith.constant 8 : i32
        %mul3A_336 = arith.muli %scan3A_216, %mul3A_335 : i32
        %add3A_337 = arith.constant 7 : i32
        %add3A_338 = arith.addi %mul3A_336, %add3A_337 : i32
        %mul3A_339 = arith.constant 16 : i32
        %mul3A_340 = arith.muli %add3A_338, %mul3A_339 : i32
        %get3A_341 = arith.constant 1 : i32
        %get3A_342 = arith.constant 1 : i32
        %get3A_343 = arith.index_cast %get3A_341 : i32 to index
        %get3A_344 = arith.index_cast %get3A_342 : i32 to index
        %get3A_345 = arith.index_cast %mul3A_340 : i32 to index
        %get3A_346 = tpu.vector_load %arg7[%get3A_343, %get3A_344, %get3A_345] {strides = array<i32>} : memref<2x2x16384xf32, #tpu.memory_space<vmem>>, vector<16xf32>,
        %ge3A_347 = arith.cmpf oge, %get3A_346, %get3A_3 : vector<16xf32>
        %min3A_348 = arith.minsi %scan3A_224, %add3A_75 : vector<16xi32>
        tpu.vector_store_idx %arg8[%min3A_348], %get3A_346 masked %ge3A_347 : memref<32768xf32, #tpu.memory_space<vmem>>[vector<16xi32>], vector<16xf32>, vector<16xi1>
        %convert_element_type3A_349 = arith.extui %ge3A_347 : vector<16xi1> to vector<16xi32>
        %add3A_350 = arith.addi %scan3A_224, %convert_element_type3A_349 : vector<16xi32>
        scf.yield %add3A_238, %add3A_254, %add3A_270, %add3A_286, %add3A_302, %add3A_318, %add3A_334, %add3A_350 : vector<16xi32>, vector<16xi32>, vector<16xi32>, vector<16xi32>, vector<16xi32>, vector<16xi32>, vector<16xi32>, vector<16xi32>
      }
      %scan3A_208 = arith.constant 128 : i32
      %add3A_209 = arith.constant 2 : i32
      %add3A_210 = arith.addi %add3A_180, %add3A_209 : i32
      %lt3A_211 = arith.constant 64 : i32
      %lt3A_212 = arith.cmpi slt, %add3A_210, %lt3A_211 : i32
      %convert_element_type3A_213 = arith.extui %lt3A_212 : i1 to i32
      %cond3A_214 = arith.constant 0 : i32
      %cond3A_215 = arith.cmpi ne, %convert_element_type3A_213, %cond3A_214 : i32
      scf.if %cond3A_215 {
        %add3A_216 = arith.constant 2 : i32
        %add3A_217 = arith.addi %add3A_180, %add3A_216 : i32
        %mul3A_218 = arith.constant 2 : i32
        %mul3A_219 = arith.muli %add3A_217, %mul3A_218 : i32
        %add3A_220 = arith.addi %mul3A_2, %mul3A_219 : i32
        %dma_start3A_221 = arith.constant 1 : i32
        %dma_start3A_222 = arith.constant 0 : i32
        %dma_start3A_223 = arith.constant 0 : i32
        %dma_start3A_224 = tpu.memref_slice %arg7[%dma_start3A_221, %dma_start3A_222, %dma_start3A_223] : memref<2x2x16384xf32, #tpu.memory_space<vmem>> -> memref<1x2x16384xf32, #tpu.memory_space<vmem>>
        %dma_start3A_225 = tpu.memref_squeeze %dma_start3A_224 : memref<1x2x16384xf32, #tpu.memory_space<vmem>> -> memref<2x16384xf32, #tpu.memory_space<vmem>>
        %dma_start3A_226 = arith.constant 0 : i32
        %dma_start3A_227 = tpu.memref_slice %arg2[%add3A_220, %dma_start3A_226] : memref<4096x16384xf32, #tpu.memory_space<hbm>> -> memref<2x16384xf32, #tpu.memory_space<hbm>>
        %dma_start3A_228 = arith.constant 0 : i32
        %dma_start3A_229 = arith.constant 0 : i32
        %dma_start3A_230 = tpu.memref_slice %arg7[%dma_start3A_221, %dma_start3A_228, %dma_start3A_229] : memref<2x2x16384xf32, #tpu.memory_space<vmem>> -> memref<1x2x16384xf32, #tpu.memory_space<vmem>>
        %dma_start3A_231 = tpu.memref_squeeze %dma_start3A_230 : memref<1x2x16384xf32, #tpu.memory_space<vmem>> -> memref<2x16384xf32, #tpu.memory_space<vmem>>
        %dma_start3A_232 = arith.constant 0 : i32
        %dma_start3A_233 = tpu.memref_slice %arg2[%add3A_220, %dma_start3A_232] : memref<4096x16384xf32, #tpu.memory_space<hbm>> -> memref<2x16384xf32, #tpu.memory_space<hbm>>
        tpu.enqueue_dma source(%dma_start3A_233 : memref<2x16384xf32, #tpu.memory_space<hbm>>) target(%dma_start3A_231 : memref<2x16384xf32, #tpu.memory_space<vmem>>) target_semaphore(%arg11 : memref<!tpu.dma_semaphore, #tpu.memory_space<semaphore_mem>>)
      } else {
      }
      scf.yield %scan3A_207#0, %scan3A_207#1, %scan3A_207#2, %scan3A_207#3, %scan3A_207#4, %scan3A_207#5, %scan3A_207#6, %scan3A_207#7 : vector<16xi32>, vector<16xi32>, vector<16xi32>, vector<16xi32>, vector<16xi32>, vector<16xi32>, vector<16xi32>, vector<16xi32>
    }
    %scan3A_115 = arith.constant 32 : i32
    "tpu.region"() ({
      %run_scoped3A = tpu.sem_alloc : memref<!tpu.dma_semaphore, #tpu.memory_space<semaphore_mem>>
      %dma_start3A_133 = arith.constant 0 : i32
      %dma_start3A_134 = tpu.memref_slice %arg4[%add3A, %dma_start3A_133] : memref<32x32768xf32, #tpu.memory_space<hbm>> -> memref<1x32768xf32, #tpu.memory_space<hbm>>
      %dma_start3A_135 = tpu.memref_squeeze %dma_start3A_134 : memref<1x32768xf32, #tpu.memory_space<hbm>> -> memref<32768xf32, #tpu.memory_space<hbm>>
      %dma_start3A_136 = arith.constant 0 : i32
      %dma_start3A_137 = tpu.memref_slice %arg4[%add3A, %dma_start3A_136] : memref<32x32768xf32, #tpu.memory_space<hbm>> -> memref<1x32768xf32, #tpu.memory_space<hbm>>
      %dma_start3A_138 = tpu.memref_squeeze %dma_start3A_137 : memref<1x32768xf32, #tpu.memory_space<hbm>> -> memref<32768xf32, #tpu.memory_space<hbm>>
      tpu.enqueue_dma source(%arg8 : memref<32768xf32, #tpu.memory_space<vmem>>) target(%dma_start3A_138 : memref<32768xf32, #tpu.memory_space<hbm>>) target_semaphore(%run_scoped3A : memref<!tpu.dma_semaphore, #tpu.memory_space<semaphore_mem>>)
      %dma_wait3A = arith.constant 0 : i32
      %dma_wait3A_139 = tpu.memref_slice %arg4[%add3A, %dma_wait3A] : memref<32x32768xf32, #tpu.memory_space<hbm>> -> memref<1x32768xf32, #tpu.memory_space<hbm>>
      %dma_wait3A_140 = tpu.memref_squeeze %dma_wait3A_139 : memref<1x32768xf32, #tpu.memory_space<hbm>> -> memref<32768xf32, #tpu.memory_space<hbm>>
      %dma_wait3A_141 = arith.constant 0 : i32
      %dma_wait3A_142 = tpu.memref_slice %arg4[%add3A, %dma_wait3A_141] : memref<32x32768xf32, #tpu.memory_space<hbm>> -> memref<1x32768xf32, #tpu.memory_space<hbm>>
      %dma_wait3A_143 = tpu.memref_squeeze %dma_wait3A_142 : memref<1x32768xf32, #tpu.memory_space<hbm>> -> memref<32768xf32, #tpu.memory_space<hbm>>
      tpu.wait_dma2 semaphore(%run_scoped3A : memref<!tpu.dma_semaphore, #tpu.memory_space<semaphore_mem>>) src(%arg8 : memref<32768xf32, #tpu.memory_space<vmem>>) dst(%dma_wait3A_143 : memref<32768xf32, #tpu.memory_space<hbm>>)
      tpu.yield
    }) : () -> ()
    %sub3A = arith.subi %add3A_9, %add3A_9 : vector<16xi32>
    %sub3A_116 = arith.subi %scan3A_114#0, %add3A_9 : vector<16xi32>
    %add3A_117 = arith.addi %sub3A, %sub3A_116 : vector<16xi32>
    %sub3A_118 = arith.subi %scan3A_114#1, %add3A_15 : vector<16xi32>
    %add3A_119 = arith.addi %add3A_117, %sub3A_118 : vector<16xi32>
    %sub3A_120 = arith.subi %scan3A_114#2, %add3A_21 : vector<16xi32>
    %add3A_121 = arith.addi %add3A_119, %sub3A_120 : vector<16xi32>
    %sub3A_122 = arith.subi %scan3A_114#3, %add3A_27 : vector<16xi32>
    %add3A_123 = arith.addi %add3A_121, %sub3A_122 : vector<16xi32>
    %sub3A_124 = arith.subi %scan3A_114#4, %add3A_33 : vector<16xi32>
    %add3A_125 = arith.addi %add3A_123, %sub3A_124 : vector<16xi32>
    %sub3A_126 = arith.subi %scan3A_114#5, %add3A_39 : vector<16xi32>
    %add3A_127 = arith.addi %add3A_125, %sub3A_126 : vector<16xi32>
    %sub3A_128 = arith.subi %scan3A_114#6, %add3A_45 : vector<16xi32>
    %add3A_129 = arith.addi %add3A_127, %sub3A_128 : vector<16xi32>
    %sub3A_130 = arith.subi %scan3A_114#7, %add3A_51 : vector<16xi32>
    %add3A_131 = arith.addi %add3A_129, %sub3A_130 : vector<16xi32>
    %swap3A = arith.constant 0 : index
    %swap3A_132 = tpu.vector_load %arg9[%swap3A] {strides = array<i32>} : memref<16xi32, #tpu.memory_space<vmem>>, vector<16xi32>,
    tpu.vector_store %arg9[%swap3A], %add3A_131 {strides = array<i32>} : memref<16xi32, #tpu.memory_space<vmem>>, vector<16xi32>,
    "tpu.region"() ({
      %run_scoped3A = tpu.sem_alloc : memref<!tpu.dma_semaphore, #tpu.memory_space<semaphore_mem>>
      %dma_start3A_133 = arith.constant 0 : i32
      %dma_start3A_134 = tpu.memref_slice %arg5[%add3A, %dma_start3A_133] : memref<32x16xi32, #tpu.memory_space<hbm>> -> memref<1x16xi32, #tpu.memory_space<hbm>>
      %dma_start3A_135 = tpu.memref_squeeze %dma_start3A_134 : memref<1x16xi32, #tpu.memory_space<hbm>> -> memref<16xi32, #tpu.memory_space<hbm>>
      %dma_start3A_136 = arith.constant 0 : i32
      %dma_start3A_137 = tpu.memref_slice %arg5[%add3A, %dma_start3A_136] : memref<32x16xi32, #tpu.memory_space<hbm>> -> memref<1x16xi32, #tpu.memory_space<hbm>>
      %dma_start3A_138 = tpu.memref_squeeze %dma_start3A_137 : memref<1x16xi32, #tpu.memory_space<hbm>> -> memref<16xi32, #tpu.memory_space<hbm>>
      tpu.enqueue_dma source(%arg9 : memref<16xi32, #tpu.memory_space<vmem>>) target(%dma_start3A_138 : memref<16xi32, #tpu.memory_space<hbm>>) target_semaphore(%run_scoped3A : memref<!tpu.dma_semaphore, #tpu.memory_space<semaphore_mem>>)
      %dma_wait3A = arith.constant 0 : i32
      %dma_wait3A_139 = tpu.memref_slice %arg5[%add3A, %dma_wait3A] : memref<32x16xi32, #tpu.memory_space<hbm>> -> memref<1x16xi32, #tpu.memory_space<hbm>>
      %dma_wait3A_140 = tpu.memref_squeeze %dma_wait3A_139 : memref<1x16xi32, #tpu.memory_space<hbm>> -> memref<16xi32, #tpu.memory_space<hbm>>
      %dma_wait3A_141 = arith.constant 0 : i32
      %dma_wait3A_142 = tpu.memref_slice %arg5[%add3A, %dma_wait3A_141] : memref<32x16xi32, #tpu.memory_space<hbm>> -> memref<1x16xi32, #tpu.memory_space<hbm>>
      %dma_wait3A_143 = tpu.memref_squeeze %dma_wait3A_142 : memref<1x16xi32, #tpu.memory_space<hbm>> -> memref<16xi32, #tpu.memory_space<hbm>>
      tpu.wait_dma2 semaphore(%run_scoped3A : memref<!tpu.dma_semaphore, #tpu.memory_space<semaphore_mem>>) src(%arg9 : memref<16xi32, #tpu.memory_space<vmem>>) dst(%dma_wait3A_143 : memref<16xi32, #tpu.memory_space<hbm>>)
      tpu.yield
    }) : () -> ()
    return
  }
}

module attributes {stable_mosaic.version = 14 : i64} {
  func.func @body(%arg0: memref<32x32768xf32, #tpu.memory_space<vmem>>, %arg1: memref<8x128xf32, #tpu.memory_space<vmem>>) attributes {dimension_semantics = [], scalar_prefetch = 0 : i64, scratch_operands = 0 : i64, tpu.core_type = #tpu.core_type<tc>} {
    %get3A = arith.constant 0 : index
    %get3A_0 = arith.constant 0 : index
    %get3A_1 = vector.load %arg0[%get3A, %get3A_0] : memref<32x32768xf32, #tpu.memory_space<vmem>>, vector<32x32768xf32>
    %bitcast_convert_type3A = tpu.bitcast %get3A_1 : vector<32x32768xf32> -> vector<32x32768xi32>
    %or3A = arith.constant 0 : i32
    %or3A_2 = arith.constant 1073741824 : i32
    %or3A_3 = arith.ori %or3A, %or3A_2 : i32
    %ge3A = vector.broadcast %or3A_3 : i32 to vector<32x32768xi32>
    %ge3A_4 = arith.cmpi sge, %bitcast_convert_type3A, %ge3A : vector<32x32768xi32>
    %convert_element_type3A = arith.extui %ge3A_4 : vector<32x32768xi1> to vector<32x32768xi32>
    %reduce_sum3A = vector.shape_cast %convert_element_type3A : vector<32x32768xi32> to vector<1x32x32768xi32>
    %reduce_sum3A_5 = arith.constant dense<0> : vector<1xi32>
    %reduce_sum3A_6 = vector.multi_reduction <add>, %reduce_sum3A, %reduce_sum3A_5 [1, 2] : vector<1x32x32768xi32> to vector<1xi32>
    %reduce_sum3A_7 = vector.shape_cast %reduce_sum3A_6 : vector<1xi32> to vector<1x1x1xi32>
    %reduce_sum3A_8 = vector.extract %reduce_sum3A_7[0, 0, 0] : i32 from vector<1x1x1xi32>
    %ge3A_9 = arith.constant 262144 : i32
    %ge3A_10 = arith.cmpi sge, %reduce_sum3A_8, %ge3A_9 : i32
    %jit3A = arith.constant 0 : i32
    %select_n3A = arith.select %ge3A_10, %or3A_3, %jit3A : i32
    %or3A_11 = arith.constant 536870912 : i32
    %or3A_12 = arith.ori %select_n3A, %or3A_11 : i32
    %ge3A_13 = vector.broadcast %or3A_12 : i32 to vector<32x32768xi32>
    %ge3A_14 = arith.cmpi sge, %bitcast_convert_type3A, %ge3A_13 : vector<32x32768xi32>
    %convert_element_type3A_15 = arith.extui %ge3A_14 : vector<32x32768xi1> to vector<32x32768xi32>
    %reduce_sum3A_16 = vector.shape_cast %convert_element_type3A_15 : vector<32x32768xi32> to vector<1x32x32768xi32>
    %reduce_sum3A_17 = arith.constant dense<0> : vector<1xi32>
    %reduce_sum3A_18 = vector.multi_reduction <add>, %reduce_sum3A_16, %reduce_sum3A_17 [1, 2] : vector<1x32x32768xi32> to vector<1xi32>
    %reduce_sum3A_19 = vector.shape_cast %reduce_sum3A_18 : vector<1xi32> to vector<1x1x1xi32>
    %reduce_sum3A_20 = vector.extract %reduce_sum3A_19[0, 0, 0] : i32 from vector<1x1x1xi32>
    %ge3A_21 = arith.constant 262144 : i32
    %ge3A_22 = arith.cmpi sge, %reduce_sum3A_20, %ge3A_21 : i32
    %select_n3A_23 = arith.select %ge3A_22, %or3A_12, %select_n3A : i32
    %or3A_24 = arith.constant 268435456 : i32
    %or3A_25 = arith.ori %select_n3A_23, %or3A_24 : i32
    %ge3A_26 = vector.broadcast %or3A_25 : i32 to vector<32x32768xi32>
    %ge3A_27 = arith.cmpi sge, %bitcast_convert_type3A, %ge3A_26 : vector<32x32768xi32>
    %convert_element_type3A_28 = arith.extui %ge3A_27 : vector<32x32768xi1> to vector<32x32768xi32>
    %reduce_sum3A_29 = vector.shape_cast %convert_element_type3A_28 : vector<32x32768xi32> to vector<1x32x32768xi32>
    %reduce_sum3A_30 = arith.constant dense<0> : vector<1xi32>
    %reduce_sum3A_31 = vector.multi_reduction <add>, %reduce_sum3A_29, %reduce_sum3A_30 [1, 2] : vector<1x32x32768xi32> to vector<1xi32>
    %reduce_sum3A_32 = vector.shape_cast %reduce_sum3A_31 : vector<1xi32> to vector<1x1x1xi32>
    %reduce_sum3A_33 = vector.extract %reduce_sum3A_32[0, 0, 0] : i32 from vector<1x1x1xi32>
    %ge3A_34 = arith.constant 262144 : i32
    %ge3A_35 = arith.cmpi sge, %reduce_sum3A_33, %ge3A_34 : i32
    %select_n3A_36 = arith.select %ge3A_35, %or3A_25, %select_n3A_23 : i32
    %or3A_37 = arith.constant 134217728 : i32
    %or3A_38 = arith.ori %select_n3A_36, %or3A_37 : i32
    %ge3A_39 = vector.broadcast %or3A_38 : i32 to vector<32x32768xi32>
    %ge3A_40 = arith.cmpi sge, %bitcast_convert_type3A, %ge3A_39 : vector<32x32768xi32>
    %convert_element_type3A_41 = arith.extui %ge3A_40 : vector<32x32768xi1> to vector<32x32768xi32>
    %reduce_sum3A_42 = vector.shape_cast %convert_element_type3A_41 : vector<32x32768xi32> to vector<1x32x32768xi32>
    %reduce_sum3A_43 = arith.constant dense<0> : vector<1xi32>
    %reduce_sum3A_44 = vector.multi_reduction <add>, %reduce_sum3A_42, %reduce_sum3A_43 [1, 2] : vector<1x32x32768xi32> to vector<1xi32>
    %reduce_sum3A_45 = vector.shape_cast %reduce_sum3A_44 : vector<1xi32> to vector<1x1x1xi32>
    %reduce_sum3A_46 = vector.extract %reduce_sum3A_45[0, 0, 0] : i32 from vector<1x1x1xi32>
    %ge3A_47 = arith.constant 262144 : i32
    %ge3A_48 = arith.cmpi sge, %reduce_sum3A_46, %ge3A_47 : i32
    %select_n3A_49 = arith.select %ge3A_48, %or3A_38, %select_n3A_36 : i32
    %or3A_50 = arith.constant 67108864 : i32
    %or3A_51 = arith.ori %select_n3A_49, %or3A_50 : i32
    %ge3A_52 = vector.broadcast %or3A_51 : i32 to vector<32x32768xi32>
    %ge3A_53 = arith.cmpi sge, %bitcast_convert_type3A, %ge3A_52 : vector<32x32768xi32>
    %convert_element_type3A_54 = arith.extui %ge3A_53 : vector<32x32768xi1> to vector<32x32768xi32>
    %reduce_sum3A_55 = vector.shape_cast %convert_element_type3A_54 : vector<32x32768xi32> to vector<1x32x32768xi32>
    %reduce_sum3A_56 = arith.constant dense<0> : vector<1xi32>
    %reduce_sum3A_57 = vector.multi_reduction <add>, %reduce_sum3A_55, %reduce_sum3A_56 [1, 2] : vector<1x32x32768xi32> to vector<1xi32>
    %reduce_sum3A_58 = vector.shape_cast %reduce_sum3A_57 : vector<1xi32> to vector<1x1x1xi32>
    %reduce_sum3A_59 = vector.extract %reduce_sum3A_58[0, 0, 0] : i32 from vector<1x1x1xi32>
    %ge3A_60 = arith.constant 262144 : i32
    %ge3A_61 = arith.cmpi sge, %reduce_sum3A_59, %ge3A_60 : i32
    %select_n3A_62 = arith.select %ge3A_61, %or3A_51, %select_n3A_49 : i32
    %or3A_63 = arith.constant 33554432 : i32
    %or3A_64 = arith.ori %select_n3A_62, %or3A_63 : i32
    %ge3A_65 = vector.broadcast %or3A_64 : i32 to vector<32x32768xi32>
    %ge3A_66 = arith.cmpi sge, %bitcast_convert_type3A, %ge3A_65 : vector<32x32768xi32>
    %convert_element_type3A_67 = arith.extui %ge3A_66 : vector<32x32768xi1> to vector<32x32768xi32>
    %reduce_sum3A_68 = vector.shape_cast %convert_element_type3A_67 : vector<32x32768xi32> to vector<1x32x32768xi32>
    %reduce_sum3A_69 = arith.constant dense<0> : vector<1xi32>
    %reduce_sum3A_70 = vector.multi_reduction <add>, %reduce_sum3A_68, %reduce_sum3A_69 [1, 2] : vector<1x32x32768xi32> to vector<1xi32>
    %reduce_sum3A_71 = vector.shape_cast %reduce_sum3A_70 : vector<1xi32> to vector<1x1x1xi32>
    %reduce_sum3A_72 = vector.extract %reduce_sum3A_71[0, 0, 0] : i32 from vector<1x1x1xi32>
    %ge3A_73 = arith.constant 262144 : i32
    %ge3A_74 = arith.cmpi sge, %reduce_sum3A_72, %ge3A_73 : i32
    %select_n3A_75 = arith.select %ge3A_74, %or3A_64, %select_n3A_62 : i32
    %or3A_76 = arith.constant 16777216 : i32
    %or3A_77 = arith.ori %select_n3A_75, %or3A_76 : i32
    %ge3A_78 = vector.broadcast %or3A_77 : i32 to vector<32x32768xi32>
    %ge3A_79 = arith.cmpi sge, %bitcast_convert_type3A, %ge3A_78 : vector<32x32768xi32>
    %convert_element_type3A_80 = arith.extui %ge3A_79 : vector<32x32768xi1> to vector<32x32768xi32>
    %reduce_sum3A_81 = vector.shape_cast %convert_element_type3A_80 : vector<32x32768xi32> to vector<1x32x32768xi32>
    %reduce_sum3A_82 = arith.constant dense<0> : vector<1xi32>
    %reduce_sum3A_83 = vector.multi_reduction <add>, %reduce_sum3A_81, %reduce_sum3A_82 [1, 2] : vector<1x32x32768xi32> to vector<1xi32>
    %reduce_sum3A_84 = vector.shape_cast %reduce_sum3A_83 : vector<1xi32> to vector<1x1x1xi32>
    %reduce_sum3A_85 = vector.extract %reduce_sum3A_84[0, 0, 0] : i32 from vector<1x1x1xi32>
    %ge3A_86 = arith.constant 262144 : i32
    %ge3A_87 = arith.cmpi sge, %reduce_sum3A_85, %ge3A_86 : i32
    %select_n3A_88 = arith.select %ge3A_87, %or3A_77, %select_n3A_75 : i32
    %or3A_89 = arith.constant 8388608 : i32
    %or3A_90 = arith.ori %select_n3A_88, %or3A_89 : i32
    %ge3A_91 = vector.broadcast %or3A_90 : i32 to vector<32x32768xi32>
    %ge3A_92 = arith.cmpi sge, %bitcast_convert_type3A, %ge3A_91 : vector<32x32768xi32>
    %convert_element_type3A_93 = arith.extui %ge3A_92 : vector<32x32768xi1> to vector<32x32768xi32>
    %reduce_sum3A_94 = vector.shape_cast %convert_element_type3A_93 : vector<32x32768xi32> to vector<1x32x32768xi32>
    %reduce_sum3A_95 = arith.constant dense<0> : vector<1xi32>
    %reduce_sum3A_96 = vector.multi_reduction <add>, %reduce_sum3A_94, %reduce_sum3A_95 [1, 2] : vector<1x32x32768xi32> to vector<1xi32>
    %reduce_sum3A_97 = vector.shape_cast %reduce_sum3A_96 : vector<1xi32> to vector<1x1x1xi32>
    %reduce_sum3A_98 = vector.extract %reduce_sum3A_97[0, 0, 0] : i32 from vector<1x1x1xi32>
    %ge3A_99 = arith.constant 262144 : i32
    %ge3A_100 = arith.cmpi sge, %reduce_sum3A_98, %ge3A_99 : i32
    %select_n3A_101 = arith.select %ge3A_100, %or3A_90, %select_n3A_88 : i32
    %or3A_102 = arith.constant 4194304 : i32
    %or3A_103 = arith.ori %select_n3A_101, %or3A_102 : i32
    %ge3A_104 = vector.broadcast %or3A_103 : i32 to vector<32x32768xi32>
    %ge3A_105 = arith.cmpi sge, %bitcast_convert_type3A, %ge3A_104 : vector<32x32768xi32>
    %convert_element_type3A_106 = arith.extui %ge3A_105 : vector<32x32768xi1> to vector<32x32768xi32>
    %reduce_sum3A_107 = vector.shape_cast %convert_element_type3A_106 : vector<32x32768xi32> to vector<1x32x32768xi32>
    %reduce_sum3A_108 = arith.constant dense<0> : vector<1xi32>
    %reduce_sum3A_109 = vector.multi_reduction <add>, %reduce_sum3A_107, %reduce_sum3A_108 [1, 2] : vector<1x32x32768xi32> to vector<1xi32>
    %reduce_sum3A_110 = vector.shape_cast %reduce_sum3A_109 : vector<1xi32> to vector<1x1x1xi32>
    %reduce_sum3A_111 = vector.extract %reduce_sum3A_110[0, 0, 0] : i32 from vector<1x1x1xi32>
    %ge3A_112 = arith.constant 262144 : i32
    %ge3A_113 = arith.cmpi sge, %reduce_sum3A_111, %ge3A_112 : i32
    %select_n3A_114 = arith.select %ge3A_113, %or3A_103, %select_n3A_101 : i32
    %or3A_115 = arith.constant 2097152 : i32
    %or3A_116 = arith.ori %select_n3A_114, %or3A_115 : i32
    %ge3A_117 = vector.broadcast %or3A_116 : i32 to vector<32x32768xi32>
    %ge3A_118 = arith.cmpi sge, %bitcast_convert_type3A, %ge3A_117 : vector<32x32768xi32>
    %convert_element_type3A_119 = arith.extui %ge3A_118 : vector<32x32768xi1> to vector<32x32768xi32>
    %reduce_sum3A_120 = vector.shape_cast %convert_element_type3A_119 : vector<32x32768xi32> to vector<1x32x32768xi32>
    %reduce_sum3A_121 = arith.constant dense<0> : vector<1xi32>
    %reduce_sum3A_122 = vector.multi_reduction <add>, %reduce_sum3A_120, %reduce_sum3A_121 [1, 2] : vector<1x32x32768xi32> to vector<1xi32>
    %reduce_sum3A_123 = vector.shape_cast %reduce_sum3A_122 : vector<1xi32> to vector<1x1x1xi32>
    %reduce_sum3A_124 = vector.extract %reduce_sum3A_123[0, 0, 0] : i32 from vector<1x1x1xi32>
    %ge3A_125 = arith.constant 262144 : i32
    %ge3A_126 = arith.cmpi sge, %reduce_sum3A_124, %ge3A_125 : i32
    %select_n3A_127 = arith.select %ge3A_126, %or3A_116, %select_n3A_114 : i32
    %or3A_128 = arith.constant 1048576 : i32
    %or3A_129 = arith.ori %select_n3A_127, %or3A_128 : i32
    %ge3A_130 = vector.broadcast %or3A_129 : i32 to vector<32x32768xi32>
    %ge3A_131 = arith.cmpi sge, %bitcast_convert_type3A, %ge3A_130 : vector<32x32768xi32>
    %convert_element_type3A_132 = arith.extui %ge3A_131 : vector<32x32768xi1> to vector<32x32768xi32>
    %reduce_sum3A_133 = vector.shape_cast %convert_element_type3A_132 : vector<32x32768xi32> to vector<1x32x32768xi32>
    %reduce_sum3A_134 = arith.constant dense<0> : vector<1xi32>
    %reduce_sum3A_135 = vector.multi_reduction <add>, %reduce_sum3A_133, %reduce_sum3A_134 [1, 2] : vector<1x32x32768xi32> to vector<1xi32>
    %reduce_sum3A_136 = vector.shape_cast %reduce_sum3A_135 : vector<1xi32> to vector<1x1x1xi32>
    %reduce_sum3A_137 = vector.extract %reduce_sum3A_136[0, 0, 0] : i32 from vector<1x1x1xi32>
    %ge3A_138 = arith.constant 262144 : i32
    %ge3A_139 = arith.cmpi sge, %reduce_sum3A_137, %ge3A_138 : i32
    %select_n3A_140 = arith.select %ge3A_139, %or3A_129, %select_n3A_127 : i32
    %or3A_141 = arith.constant 524288 : i32
    %or3A_142 = arith.ori %select_n3A_140, %or3A_141 : i32
    %ge3A_143 = vector.broadcast %or3A_142 : i32 to vector<32x32768xi32>
    %ge3A_144 = arith.cmpi sge, %bitcast_convert_type3A, %ge3A_143 : vector<32x32768xi32>
    %convert_element_type3A_145 = arith.extui %ge3A_144 : vector<32x32768xi1> to vector<32x32768xi32>
    %reduce_sum3A_146 = vector.shape_cast %convert_element_type3A_145 : vector<32x32768xi32> to vector<1x32x32768xi32>
    %reduce_sum3A_147 = arith.constant dense<0> : vector<1xi32>
    %reduce_sum3A_148 = vector.multi_reduction <add>, %reduce_sum3A_146, %reduce_sum3A_147 [1, 2] : vector<1x32x32768xi32> to vector<1xi32>
    %reduce_sum3A_149 = vector.shape_cast %reduce_sum3A_148 : vector<1xi32> to vector<1x1x1xi32>
    %reduce_sum3A_150 = vector.extract %reduce_sum3A_149[0, 0, 0] : i32 from vector<1x1x1xi32>
    %ge3A_151 = arith.constant 262144 : i32
    %ge3A_152 = arith.cmpi sge, %reduce_sum3A_150, %ge3A_151 : i32
    %select_n3A_153 = arith.select %ge3A_152, %or3A_142, %select_n3A_140 : i32
    %or3A_154 = arith.constant 262144 : i32
    %or3A_155 = arith.ori %select_n3A_153, %or3A_154 : i32
    %ge3A_156 = vector.broadcast %or3A_155 : i32 to vector<32x32768xi32>
    %ge3A_157 = arith.cmpi sge, %bitcast_convert_type3A, %ge3A_156 : vector<32x32768xi32>
    %convert_element_type3A_158 = arith.extui %ge3A_157 : vector<32x32768xi1> to vector<32x32768xi32>
    %reduce_sum3A_159 = vector.shape_cast %convert_element_type3A_158 : vector<32x32768xi32> to vector<1x32x32768xi32>
    %reduce_sum3A_160 = arith.constant dense<0> : vector<1xi32>
    %reduce_sum3A_161 = vector.multi_reduction <add>, %reduce_sum3A_159, %reduce_sum3A_160 [1, 2] : vector<1x32x32768xi32> to vector<1xi32>
    %reduce_sum3A_162 = vector.shape_cast %reduce_sum3A_161 : vector<1xi32> to vector<1x1x1xi32>
    %reduce_sum3A_163 = vector.extract %reduce_sum3A_162[0, 0, 0] : i32 from vector<1x1x1xi32>
    %ge3A_164 = arith.constant 262144 : i32
    %ge3A_165 = arith.cmpi sge, %reduce_sum3A_163, %ge3A_164 : i32
    %select_n3A_166 = arith.select %ge3A_165, %or3A_155, %select_n3A_153 : i32
    %or3A_167 = arith.constant 131072 : i32
    %or3A_168 = arith.ori %select_n3A_166, %or3A_167 : i32
    %ge3A_169 = vector.broadcast %or3A_168 : i32 to vector<32x32768xi32>
    %ge3A_170 = arith.cmpi sge, %bitcast_convert_type3A, %ge3A_169 : vector<32x32768xi32>
    %convert_element_type3A_171 = arith.extui %ge3A_170 : vector<32x32768xi1> to vector<32x32768xi32>
    %reduce_sum3A_172 = vector.shape_cast %convert_element_type3A_171 : vector<32x32768xi32> to vector<1x32x32768xi32>
    %reduce_sum3A_173 = arith.constant dense<0> : vector<1xi32>
    %reduce_sum3A_174 = vector.multi_reduction <add>, %reduce_sum3A_172, %reduce_sum3A_173 [1, 2] : vector<1x32x32768xi32> to vector<1xi32>
    %reduce_sum3A_175 = vector.shape_cast %reduce_sum3A_174 : vector<1xi32> to vector<1x1x1xi32>
    %reduce_sum3A_176 = vector.extract %reduce_sum3A_175[0, 0, 0] : i32 from vector<1x1x1xi32>
    %ge3A_177 = arith.constant 262144 : i32
    %ge3A_178 = arith.cmpi sge, %reduce_sum3A_176, %ge3A_177 : i32
    %select_n3A_179 = arith.select %ge3A_178, %or3A_168, %select_n3A_166 : i32
    %or3A_180 = arith.constant 65536 : i32
    %or3A_181 = arith.ori %select_n3A_179, %or3A_180 : i32
    %ge3A_182 = vector.broadcast %or3A_181 : i32 to vector<32x32768xi32>
    %ge3A_183 = arith.cmpi sge, %bitcast_convert_type3A, %ge3A_182 : vector<32x32768xi32>
    %convert_element_type3A_184 = arith.extui %ge3A_183 : vector<32x32768xi1> to vector<32x32768xi32>
    %reduce_sum3A_185 = vector.shape_cast %convert_element_type3A_184 : vector<32x32768xi32> to vector<1x32x32768xi32>
    %reduce_sum3A_186 = arith.constant dense<0> : vector<1xi32>
    %reduce_sum3A_187 = vector.multi_reduction <add>, %reduce_sum3A_185, %reduce_sum3A_186 [1, 2] : vector<1x32x32768xi32> to vector<1xi32>
    %reduce_sum3A_188 = vector.shape_cast %reduce_sum3A_187 : vector<1xi32> to vector<1x1x1xi32>
    %reduce_sum3A_189 = vector.extract %reduce_sum3A_188[0, 0, 0] : i32 from vector<1x1x1xi32>
    %ge3A_190 = arith.constant 262144 : i32
    %ge3A_191 = arith.cmpi sge, %reduce_sum3A_189, %ge3A_190 : i32
    %select_n3A_192 = arith.select %ge3A_191, %or3A_181, %select_n3A_179 : i32
    %or3A_193 = arith.constant 32768 : i32
    %or3A_194 = arith.ori %select_n3A_192, %or3A_193 : i32
    %ge3A_195 = vector.broadcast %or3A_194 : i32 to vector<32x32768xi32>
    %ge3A_196 = arith.cmpi sge, %bitcast_convert_type3A, %ge3A_195 : vector<32x32768xi32>
    %convert_element_type3A_197 = arith.extui %ge3A_196 : vector<32x32768xi1> to vector<32x32768xi32>
    %reduce_sum3A_198 = vector.shape_cast %convert_element_type3A_197 : vector<32x32768xi32> to vector<1x32x32768xi32>
    %reduce_sum3A_199 = arith.constant dense<0> : vector<1xi32>
    %reduce_sum3A_200 = vector.multi_reduction <add>, %reduce_sum3A_198, %reduce_sum3A_199 [1, 2] : vector<1x32x32768xi32> to vector<1xi32>
    %reduce_sum3A_201 = vector.shape_cast %reduce_sum3A_200 : vector<1xi32> to vector<1x1x1xi32>
    %reduce_sum3A_202 = vector.extract %reduce_sum3A_201[0, 0, 0] : i32 from vector<1x1x1xi32>
    %ge3A_203 = arith.constant 262144 : i32
    %ge3A_204 = arith.cmpi sge, %reduce_sum3A_202, %ge3A_203 : i32
    %select_n3A_205 = arith.select %ge3A_204, %or3A_194, %select_n3A_192 : i32
    %or3A_206 = arith.constant 16384 : i32
    %or3A_207 = arith.ori %select_n3A_205, %or3A_206 : i32
    %ge3A_208 = vector.broadcast %or3A_207 : i32 to vector<32x32768xi32>
    %ge3A_209 = arith.cmpi sge, %bitcast_convert_type3A, %ge3A_208 : vector<32x32768xi32>
    %convert_element_type3A_210 = arith.extui %ge3A_209 : vector<32x32768xi1> to vector<32x32768xi32>
    %reduce_sum3A_211 = vector.shape_cast %convert_element_type3A_210 : vector<32x32768xi32> to vector<1x32x32768xi32>
    %reduce_sum3A_212 = arith.constant dense<0> : vector<1xi32>
    %reduce_sum3A_213 = vector.multi_reduction <add>, %reduce_sum3A_211, %reduce_sum3A_212 [1, 2] : vector<1x32x32768xi32> to vector<1xi32>
    %reduce_sum3A_214 = vector.shape_cast %reduce_sum3A_213 : vector<1xi32> to vector<1x1x1xi32>
    %reduce_sum3A_215 = vector.extract %reduce_sum3A_214[0, 0, 0] : i32 from vector<1x1x1xi32>
    %ge3A_216 = arith.constant 262144 : i32
    %ge3A_217 = arith.cmpi sge, %reduce_sum3A_215, %ge3A_216 : i32
    %select_n3A_218 = arith.select %ge3A_217, %or3A_207, %select_n3A_205 : i32
    %or3A_219 = arith.constant 8192 : i32
    %or3A_220 = arith.ori %select_n3A_218, %or3A_219 : i32
    %ge3A_221 = vector.broadcast %or3A_220 : i32 to vector<32x32768xi32>
    %ge3A_222 = arith.cmpi sge, %bitcast_convert_type3A, %ge3A_221 : vector<32x32768xi32>
    %convert_element_type3A_223 = arith.extui %ge3A_222 : vector<32x32768xi1> to vector<32x32768xi32>
    %reduce_sum3A_224 = vector.shape_cast %convert_element_type3A_223 : vector<32x32768xi32> to vector<1x32x32768xi32>
    %reduce_sum3A_225 = arith.constant dense<0> : vector<1xi32>
    %reduce_sum3A_226 = vector.multi_reduction <add>, %reduce_sum3A_224, %reduce_sum3A_225 [1, 2] : vector<1x32x32768xi32> to vector<1xi32>
    %reduce_sum3A_227 = vector.shape_cast %reduce_sum3A_226 : vector<1xi32> to vector<1x1x1xi32>
    %reduce_sum3A_228 = vector.extract %reduce_sum3A_227[0, 0, 0] : i32 from vector<1x1x1xi32>
    %ge3A_229 = arith.constant 262144 : i32
    %ge3A_230 = arith.cmpi sge, %reduce_sum3A_228, %ge3A_229 : i32
    %select_n3A_231 = arith.select %ge3A_230, %or3A_220, %select_n3A_218 : i32
    %or3A_232 = arith.constant 4096 : i32
    %or3A_233 = arith.ori %select_n3A_231, %or3A_232 : i32
    %ge3A_234 = vector.broadcast %or3A_233 : i32 to vector<32x32768xi32>
    %ge3A_235 = arith.cmpi sge, %bitcast_convert_type3A, %ge3A_234 : vector<32x32768xi32>
    %convert_element_type3A_236 = arith.extui %ge3A_235 : vector<32x32768xi1> to vector<32x32768xi32>
    %reduce_sum3A_237 = vector.shape_cast %convert_element_type3A_236 : vector<32x32768xi32> to vector<1x32x32768xi32>
    %reduce_sum3A_238 = arith.constant dense<0> : vector<1xi32>
    %reduce_sum3A_239 = vector.multi_reduction <add>, %reduce_sum3A_237, %reduce_sum3A_238 [1, 2] : vector<1x32x32768xi32> to vector<1xi32>
    %reduce_sum3A_240 = vector.shape_cast %reduce_sum3A_239 : vector<1xi32> to vector<1x1x1xi32>
    %reduce_sum3A_241 = vector.extract %reduce_sum3A_240[0, 0, 0] : i32 from vector<1x1x1xi32>
    %ge3A_242 = arith.constant 262144 : i32
    %ge3A_243 = arith.cmpi sge, %reduce_sum3A_241, %ge3A_242 : i32
    %select_n3A_244 = arith.select %ge3A_243, %or3A_233, %select_n3A_231 : i32
    %or3A_245 = arith.constant 2048 : i32
    %or3A_246 = arith.ori %select_n3A_244, %or3A_245 : i32
    %ge3A_247 = vector.broadcast %or3A_246 : i32 to vector<32x32768xi32>
    %ge3A_248 = arith.cmpi sge, %bitcast_convert_type3A, %ge3A_247 : vector<32x32768xi32>
    %convert_element_type3A_249 = arith.extui %ge3A_248 : vector<32x32768xi1> to vector<32x32768xi32>
    %reduce_sum3A_250 = vector.shape_cast %convert_element_type3A_249 : vector<32x32768xi32> to vector<1x32x32768xi32>
    %reduce_sum3A_251 = arith.constant dense<0> : vector<1xi32>
    %reduce_sum3A_252 = vector.multi_reduction <add>, %reduce_sum3A_250, %reduce_sum3A_251 [1, 2] : vector<1x32x32768xi32> to vector<1xi32>
    %reduce_sum3A_253 = vector.shape_cast %reduce_sum3A_252 : vector<1xi32> to vector<1x1x1xi32>
    %reduce_sum3A_254 = vector.extract %reduce_sum3A_253[0, 0, 0] : i32 from vector<1x1x1xi32>
    %ge3A_255 = arith.constant 262144 : i32
    %ge3A_256 = arith.cmpi sge, %reduce_sum3A_254, %ge3A_255 : i32
    %select_n3A_257 = arith.select %ge3A_256, %or3A_246, %select_n3A_244 : i32
    %or3A_258 = arith.constant 1024 : i32
    %or3A_259 = arith.ori %select_n3A_257, %or3A_258 : i32
    %ge3A_260 = vector.broadcast %or3A_259 : i32 to vector<32x32768xi32>
    %ge3A_261 = arith.cmpi sge, %bitcast_convert_type3A, %ge3A_260 : vector<32x32768xi32>
    %convert_element_type3A_262 = arith.extui %ge3A_261 : vector<32x32768xi1> to vector<32x32768xi32>
    %reduce_sum3A_263 = vector.shape_cast %convert_element_type3A_262 : vector<32x32768xi32> to vector<1x32x32768xi32>
    %reduce_sum3A_264 = arith.constant dense<0> : vector<1xi32>
    %reduce_sum3A_265 = vector.multi_reduction <add>, %reduce_sum3A_263, %reduce_sum3A_264 [1, 2] : vector<1x32x32768xi32> to vector<1xi32>
    %reduce_sum3A_266 = vector.shape_cast %reduce_sum3A_265 : vector<1xi32> to vector<1x1x1xi32>
    %reduce_sum3A_267 = vector.extract %reduce_sum3A_266[0, 0, 0] : i32 from vector<1x1x1xi32>
    %ge3A_268 = arith.constant 262144 : i32
    %ge3A_269 = arith.cmpi sge, %reduce_sum3A_267, %ge3A_268 : i32
    %select_n3A_270 = arith.select %ge3A_269, %or3A_259, %select_n3A_257 : i32
    %or3A_271 = arith.constant 512 : i32
    %or3A_272 = arith.ori %select_n3A_270, %or3A_271 : i32
    %ge3A_273 = vector.broadcast %or3A_272 : i32 to vector<32x32768xi32>
    %ge3A_274 = arith.cmpi sge, %bitcast_convert_type3A, %ge3A_273 : vector<32x32768xi32>
    %convert_element_type3A_275 = arith.extui %ge3A_274 : vector<32x32768xi1> to vector<32x32768xi32>
    %reduce_sum3A_276 = vector.shape_cast %convert_element_type3A_275 : vector<32x32768xi32> to vector<1x32x32768xi32>
    %reduce_sum3A_277 = arith.constant dense<0> : vector<1xi32>
    %reduce_sum3A_278 = vector.multi_reduction <add>, %reduce_sum3A_276, %reduce_sum3A_277 [1, 2] : vector<1x32x32768xi32> to vector<1xi32>
    %reduce_sum3A_279 = vector.shape_cast %reduce_sum3A_278 : vector<1xi32> to vector<1x1x1xi32>
    %reduce_sum3A_280 = vector.extract %reduce_sum3A_279[0, 0, 0] : i32 from vector<1x1x1xi32>
    %ge3A_281 = arith.constant 262144 : i32
    %ge3A_282 = arith.cmpi sge, %reduce_sum3A_280, %ge3A_281 : i32
    %select_n3A_283 = arith.select %ge3A_282, %or3A_272, %select_n3A_270 : i32
    %or3A_284 = arith.constant 256 : i32
    %or3A_285 = arith.ori %select_n3A_283, %or3A_284 : i32
    %ge3A_286 = vector.broadcast %or3A_285 : i32 to vector<32x32768xi32>
    %ge3A_287 = arith.cmpi sge, %bitcast_convert_type3A, %ge3A_286 : vector<32x32768xi32>
    %convert_element_type3A_288 = arith.extui %ge3A_287 : vector<32x32768xi1> to vector<32x32768xi32>
    %reduce_sum3A_289 = vector.shape_cast %convert_element_type3A_288 : vector<32x32768xi32> to vector<1x32x32768xi32>
    %reduce_sum3A_290 = arith.constant dense<0> : vector<1xi32>
    %reduce_sum3A_291 = vector.multi_reduction <add>, %reduce_sum3A_289, %reduce_sum3A_290 [1, 2] : vector<1x32x32768xi32> to vector<1xi32>
    %reduce_sum3A_292 = vector.shape_cast %reduce_sum3A_291 : vector<1xi32> to vector<1x1x1xi32>
    %reduce_sum3A_293 = vector.extract %reduce_sum3A_292[0, 0, 0] : i32 from vector<1x1x1xi32>
    %ge3A_294 = arith.constant 262144 : i32
    %ge3A_295 = arith.cmpi sge, %reduce_sum3A_293, %ge3A_294 : i32
    %select_n3A_296 = arith.select %ge3A_295, %or3A_285, %select_n3A_283 : i32
    %or3A_297 = arith.constant 128 : i32
    %or3A_298 = arith.ori %select_n3A_296, %or3A_297 : i32
    %ge3A_299 = vector.broadcast %or3A_298 : i32 to vector<32x32768xi32>
    %ge3A_300 = arith.cmpi sge, %bitcast_convert_type3A, %ge3A_299 : vector<32x32768xi32>
    %convert_element_type3A_301 = arith.extui %ge3A_300 : vector<32x32768xi1> to vector<32x32768xi32>
    %reduce_sum3A_302 = vector.shape_cast %convert_element_type3A_301 : vector<32x32768xi32> to vector<1x32x32768xi32>
    %reduce_sum3A_303 = arith.constant dense<0> : vector<1xi32>
    %reduce_sum3A_304 = vector.multi_reduction <add>, %reduce_sum3A_302, %reduce_sum3A_303 [1, 2] : vector<1x32x32768xi32> to vector<1xi32>
    %reduce_sum3A_305 = vector.shape_cast %reduce_sum3A_304 : vector<1xi32> to vector<1x1x1xi32>
    %reduce_sum3A_306 = vector.extract %reduce_sum3A_305[0, 0, 0] : i32 from vector<1x1x1xi32>
    %ge3A_307 = arith.constant 262144 : i32
    %ge3A_308 = arith.cmpi sge, %reduce_sum3A_306, %ge3A_307 : i32
    %select_n3A_309 = arith.select %ge3A_308, %or3A_298, %select_n3A_296 : i32
    %or3A_310 = arith.constant 64 : i32
    %or3A_311 = arith.ori %select_n3A_309, %or3A_310 : i32
    %ge3A_312 = vector.broadcast %or3A_311 : i32 to vector<32x32768xi32>
    %ge3A_313 = arith.cmpi sge, %bitcast_convert_type3A, %ge3A_312 : vector<32x32768xi32>
    %convert_element_type3A_314 = arith.extui %ge3A_313 : vector<32x32768xi1> to vector<32x32768xi32>
    %reduce_sum3A_315 = vector.shape_cast %convert_element_type3A_314 : vector<32x32768xi32> to vector<1x32x32768xi32>
    %reduce_sum3A_316 = arith.constant dense<0> : vector<1xi32>
    %reduce_sum3A_317 = vector.multi_reduction <add>, %reduce_sum3A_315, %reduce_sum3A_316 [1, 2] : vector<1x32x32768xi32> to vector<1xi32>
    %reduce_sum3A_318 = vector.shape_cast %reduce_sum3A_317 : vector<1xi32> to vector<1x1x1xi32>
    %reduce_sum3A_319 = vector.extract %reduce_sum3A_318[0, 0, 0] : i32 from vector<1x1x1xi32>
    %ge3A_320 = arith.constant 262144 : i32
    %ge3A_321 = arith.cmpi sge, %reduce_sum3A_319, %ge3A_320 : i32
    %select_n3A_322 = arith.select %ge3A_321, %or3A_311, %select_n3A_309 : i32
    %or3A_323 = arith.constant 32 : i32
    %or3A_324 = arith.ori %select_n3A_322, %or3A_323 : i32
    %ge3A_325 = vector.broadcast %or3A_324 : i32 to vector<32x32768xi32>
    %ge3A_326 = arith.cmpi sge, %bitcast_convert_type3A, %ge3A_325 : vector<32x32768xi32>
    %convert_element_type3A_327 = arith.extui %ge3A_326 : vector<32x32768xi1> to vector<32x32768xi32>
    %reduce_sum3A_328 = vector.shape_cast %convert_element_type3A_327 : vector<32x32768xi32> to vector<1x32x32768xi32>
    %reduce_sum3A_329 = arith.constant dense<0> : vector<1xi32>
    %reduce_sum3A_330 = vector.multi_reduction <add>, %reduce_sum3A_328, %reduce_sum3A_329 [1, 2] : vector<1x32x32768xi32> to vector<1xi32>
    %reduce_sum3A_331 = vector.shape_cast %reduce_sum3A_330 : vector<1xi32> to vector<1x1x1xi32>
    %reduce_sum3A_332 = vector.extract %reduce_sum3A_331[0, 0, 0] : i32 from vector<1x1x1xi32>
    %ge3A_333 = arith.constant 262144 : i32
    %ge3A_334 = arith.cmpi sge, %reduce_sum3A_332, %ge3A_333 : i32
    %select_n3A_335 = arith.select %ge3A_334, %or3A_324, %select_n3A_322 : i32
    %or3A_336 = arith.constant 16 : i32
    %or3A_337 = arith.ori %select_n3A_335, %or3A_336 : i32
    %ge3A_338 = vector.broadcast %or3A_337 : i32 to vector<32x32768xi32>
    %ge3A_339 = arith.cmpi sge, %bitcast_convert_type3A, %ge3A_338 : vector<32x32768xi32>
    %convert_element_type3A_340 = arith.extui %ge3A_339 : vector<32x32768xi1> to vector<32x32768xi32>
    %reduce_sum3A_341 = vector.shape_cast %convert_element_type3A_340 : vector<32x32768xi32> to vector<1x32x32768xi32>
    %reduce_sum3A_342 = arith.constant dense<0> : vector<1xi32>
    %reduce_sum3A_343 = vector.multi_reduction <add>, %reduce_sum3A_341, %reduce_sum3A_342 [1, 2] : vector<1x32x32768xi32> to vector<1xi32>
    %reduce_sum3A_344 = vector.shape_cast %reduce_sum3A_343 : vector<1xi32> to vector<1x1x1xi32>
    %reduce_sum3A_345 = vector.extract %reduce_sum3A_344[0, 0, 0] : i32 from vector<1x1x1xi32>
    %ge3A_346 = arith.constant 262144 : i32
    %ge3A_347 = arith.cmpi sge, %reduce_sum3A_345, %ge3A_346 : i32
    %select_n3A_348 = arith.select %ge3A_347, %or3A_337, %select_n3A_335 : i32
    %or3A_349 = arith.constant 8 : i32
    %or3A_350 = arith.ori %select_n3A_348, %or3A_349 : i32
    %ge3A_351 = vector.broadcast %or3A_350 : i32 to vector<32x32768xi32>
    %ge3A_352 = arith.cmpi sge, %bitcast_convert_type3A, %ge3A_351 : vector<32x32768xi32>
    %convert_element_type3A_353 = arith.extui %ge3A_352 : vector<32x32768xi1> to vector<32x32768xi32>
    %reduce_sum3A_354 = vector.shape_cast %convert_element_type3A_353 : vector<32x32768xi32> to vector<1x32x32768xi32>
    %reduce_sum3A_355 = arith.constant dense<0> : vector<1xi32>
    %reduce_sum3A_356 = vector.multi_reduction <add>, %reduce_sum3A_354, %reduce_sum3A_355 [1, 2] : vector<1x32x32768xi32> to vector<1xi32>
    %reduce_sum3A_357 = vector.shape_cast %reduce_sum3A_356 : vector<1xi32> to vector<1x1x1xi32>
    %reduce_sum3A_358 = vector.extract %reduce_sum3A_357[0, 0, 0] : i32 from vector<1x1x1xi32>
    %ge3A_359 = arith.constant 262144 : i32
    %ge3A_360 = arith.cmpi sge, %reduce_sum3A_358, %ge3A_359 : i32
    %select_n3A_361 = arith.select %ge3A_360, %or3A_350, %select_n3A_348 : i32
    %or3A_362 = arith.constant 4 : i32
    %or3A_363 = arith.ori %select_n3A_361, %or3A_362 : i32
    %ge3A_364 = vector.broadcast %or3A_363 : i32 to vector<32x32768xi32>
    %ge3A_365 = arith.cmpi sge, %bitcast_convert_type3A, %ge3A_364 : vector<32x32768xi32>
    %convert_element_type3A_366 = arith.extui %ge3A_365 : vector<32x32768xi1> to vector<32x32768xi32>
    %reduce_sum3A_367 = vector.shape_cast %convert_element_type3A_366 : vector<32x32768xi32> to vector<1x32x32768xi32>
    %reduce_sum3A_368 = arith.constant dense<0> : vector<1xi32>
    %reduce_sum3A_369 = vector.multi_reduction <add>, %reduce_sum3A_367, %reduce_sum3A_368 [1, 2] : vector<1x32x32768xi32> to vector<1xi32>
    %reduce_sum3A_370 = vector.shape_cast %reduce_sum3A_369 : vector<1xi32> to vector<1x1x1xi32>
    %reduce_sum3A_371 = vector.extract %reduce_sum3A_370[0, 0, 0] : i32 from vector<1x1x1xi32>
    %ge3A_372 = arith.constant 262144 : i32
    %ge3A_373 = arith.cmpi sge, %reduce_sum3A_371, %ge3A_372 : i32
    %select_n3A_374 = arith.select %ge3A_373, %or3A_363, %select_n3A_361 : i32
    %or3A_375 = arith.constant 2 : i32
    %or3A_376 = arith.ori %select_n3A_374, %or3A_375 : i32
    %ge3A_377 = vector.broadcast %or3A_376 : i32 to vector<32x32768xi32>
    %ge3A_378 = arith.cmpi sge, %bitcast_convert_type3A, %ge3A_377 : vector<32x32768xi32>
    %convert_element_type3A_379 = arith.extui %ge3A_378 : vector<32x32768xi1> to vector<32x32768xi32>
    %reduce_sum3A_380 = vector.shape_cast %convert_element_type3A_379 : vector<32x32768xi32> to vector<1x32x32768xi32>
    %reduce_sum3A_381 = arith.constant dense<0> : vector<1xi32>
    %reduce_sum3A_382 = vector.multi_reduction <add>, %reduce_sum3A_380, %reduce_sum3A_381 [1, 2] : vector<1x32x32768xi32> to vector<1xi32>
    %reduce_sum3A_383 = vector.shape_cast %reduce_sum3A_382 : vector<1xi32> to vector<1x1x1xi32>
    %reduce_sum3A_384 = vector.extract %reduce_sum3A_383[0, 0, 0] : i32 from vector<1x1x1xi32>
    %ge3A_385 = arith.constant 262144 : i32
    %ge3A_386 = arith.cmpi sge, %reduce_sum3A_384, %ge3A_385 : i32
    %select_n3A_387 = arith.select %ge3A_386, %or3A_376, %select_n3A_374 : i32
    %or3A_388 = arith.constant 1 : i32
    %or3A_389 = arith.ori %select_n3A_387, %or3A_388 : i32
    %ge3A_390 = vector.broadcast %or3A_389 : i32 to vector<32x32768xi32>
    %ge3A_391 = arith.cmpi sge, %bitcast_convert_type3A, %ge3A_390 : vector<32x32768xi32>
    %convert_element_type3A_392 = arith.extui %ge3A_391 : vector<32x32768xi1> to vector<32x32768xi32>
    %reduce_sum3A_393 = vector.shape_cast %convert_element_type3A_392 : vector<32x32768xi32> to vector<1x32x32768xi32>
    %reduce_sum3A_394 = arith.constant dense<0> : vector<1xi32>
    %reduce_sum3A_395 = vector.multi_reduction <add>, %reduce_sum3A_393, %reduce_sum3A_394 [1, 2] : vector<1x32x32768xi32> to vector<1xi32>
    %reduce_sum3A_396 = vector.shape_cast %reduce_sum3A_395 : vector<1xi32> to vector<1x1x1xi32>
    %reduce_sum3A_397 = vector.extract %reduce_sum3A_396[0, 0, 0] : i32 from vector<1x1x1xi32>
    %ge3A_398 = arith.constant 262144 : i32
    %ge3A_399 = arith.cmpi sge, %reduce_sum3A_397, %ge3A_398 : i32
    %select_n3A_400 = arith.select %ge3A_399, %or3A_389, %select_n3A_387 : i32
    %bitcast_convert_type3A_401 = arith.bitcast %select_n3A_400 : i32 to f32
    %broadcast_in_dim3A = vector.broadcast %bitcast_convert_type3A_401 : f32 to vector<8x128xf32>
    %swap3A = arith.constant 0 : index
    %swap3A_402 = arith.constant 0 : index
    %swap3A_403 = vector.load %arg1[%swap3A, %swap3A_402] : memref<8x128xf32, #tpu.memory_space<vmem>>, vector<8x128xf32>
    tpu.vector_store %arg1[%swap3A, %swap3A_402], %broadcast_in_dim3A {strides = array<i32>} : memref<8x128xf32, #tpu.memory_space<vmem>>, vector<8x128xf32>,
    return
  }
}

module attributes {stable_mosaic.version = 14 : i64} {
  func.func @body(%arg0: memref<32x16384xf32, #tpu.memory_space<vmem>>, %arg1: memref<8x128xf32, #tpu.memory_space<vmem>>) attributes {dimension_semantics = [], scalar_prefetch = 0 : i64, scratch_operands = 0 : i64, tpu.core_type = #tpu.core_type<tc>} {
    %get3A = arith.constant 0 : index
    %get3A_0 = arith.constant 0 : index
    %get3A_1 = vector.load %arg0[%get3A, %get3A_0] : memref<32x16384xf32, #tpu.memory_space<vmem>>, vector<32x16384xf32>
    %bitcast_convert_type3A = tpu.bitcast %get3A_1 : vector<32x16384xf32> -> vector<32x16384xi32>
    %or3A = arith.constant 0 : i32
    %or3A_2 = arith.constant 1073741824 : i32
    %or3A_3 = arith.ori %or3A, %or3A_2 : i32
    %ge3A = vector.broadcast %or3A_3 : i32 to vector<32x16384xi32>
    %ge3A_4 = arith.cmpi sge, %bitcast_convert_type3A, %ge3A : vector<32x16384xi32>
    %convert_element_type3A = arith.extui %ge3A_4 : vector<32x16384xi1> to vector<32x16384xi32>
    %reduce_sum3A = vector.shape_cast %convert_element_type3A : vector<32x16384xi32> to vector<1x32x16384xi32>
    %reduce_sum3A_5 = arith.constant dense<0> : vector<1xi32>
    %reduce_sum3A_6 = vector.multi_reduction <add>, %reduce_sum3A, %reduce_sum3A_5 [1, 2] : vector<1x32x16384xi32> to vector<1xi32>
    %reduce_sum3A_7 = vector.shape_cast %reduce_sum3A_6 : vector<1xi32> to vector<1x1x1xi32>
    %reduce_sum3A_8 = vector.extract %reduce_sum3A_7[0, 0, 0] : i32 from vector<1x1x1xi32>
    %ge3A_9 = arith.constant 262144 : i32
    %ge3A_10 = arith.cmpi sge, %reduce_sum3A_8, %ge3A_9 : i32
    %jit3A = arith.constant 0 : i32
    %select_n3A = arith.select %ge3A_10, %or3A_3, %jit3A : i32
    %or3A_11 = arith.constant 536870912 : i32
    %or3A_12 = arith.ori %select_n3A, %or3A_11 : i32
    %ge3A_13 = vector.broadcast %or3A_12 : i32 to vector<32x16384xi32>
    %ge3A_14 = arith.cmpi sge, %bitcast_convert_type3A, %ge3A_13 : vector<32x16384xi32>
    %convert_element_type3A_15 = arith.extui %ge3A_14 : vector<32x16384xi1> to vector<32x16384xi32>
    %reduce_sum3A_16 = vector.shape_cast %convert_element_type3A_15 : vector<32x16384xi32> to vector<1x32x16384xi32>
    %reduce_sum3A_17 = arith.constant dense<0> : vector<1xi32>
    %reduce_sum3A_18 = vector.multi_reduction <add>, %reduce_sum3A_16, %reduce_sum3A_17 [1, 2] : vector<1x32x16384xi32> to vector<1xi32>
    %reduce_sum3A_19 = vector.shape_cast %reduce_sum3A_18 : vector<1xi32> to vector<1x1x1xi32>
    %reduce_sum3A_20 = vector.extract %reduce_sum3A_19[0, 0, 0] : i32 from vector<1x1x1xi32>
    %ge3A_21 = arith.constant 262144 : i32
    %ge3A_22 = arith.cmpi sge, %reduce_sum3A_20, %ge3A_21 : i32
    %select_n3A_23 = arith.select %ge3A_22, %or3A_12, %select_n3A : i32
    %or3A_24 = arith.constant 268435456 : i32
    %or3A_25 = arith.ori %select_n3A_23, %or3A_24 : i32
    %ge3A_26 = vector.broadcast %or3A_25 : i32 to vector<32x16384xi32>
    %ge3A_27 = arith.cmpi sge, %bitcast_convert_type3A, %ge3A_26 : vector<32x16384xi32>
    %convert_element_type3A_28 = arith.extui %ge3A_27 : vector<32x16384xi1> to vector<32x16384xi32>
    %reduce_sum3A_29 = vector.shape_cast %convert_element_type3A_28 : vector<32x16384xi32> to vector<1x32x16384xi32>
    %reduce_sum3A_30 = arith.constant dense<0> : vector<1xi32>
    %reduce_sum3A_31 = vector.multi_reduction <add>, %reduce_sum3A_29, %reduce_sum3A_30 [1, 2] : vector<1x32x16384xi32> to vector<1xi32>
    %reduce_sum3A_32 = vector.shape_cast %reduce_sum3A_31 : vector<1xi32> to vector<1x1x1xi32>
    %reduce_sum3A_33 = vector.extract %reduce_sum3A_32[0, 0, 0] : i32 from vector<1x1x1xi32>
    %ge3A_34 = arith.constant 262144 : i32
    %ge3A_35 = arith.cmpi sge, %reduce_sum3A_33, %ge3A_34 : i32
    %select_n3A_36 = arith.select %ge3A_35, %or3A_25, %select_n3A_23 : i32
    %or3A_37 = arith.constant 134217728 : i32
    %or3A_38 = arith.ori %select_n3A_36, %or3A_37 : i32
    %ge3A_39 = vector.broadcast %or3A_38 : i32 to vector<32x16384xi32>
    %ge3A_40 = arith.cmpi sge, %bitcast_convert_type3A, %ge3A_39 : vector<32x16384xi32>
    %convert_element_type3A_41 = arith.extui %ge3A_40 : vector<32x16384xi1> to vector<32x16384xi32>
    %reduce_sum3A_42 = vector.shape_cast %convert_element_type3A_41 : vector<32x16384xi32> to vector<1x32x16384xi32>
    %reduce_sum3A_43 = arith.constant dense<0> : vector<1xi32>
    %reduce_sum3A_44 = vector.multi_reduction <add>, %reduce_sum3A_42, %reduce_sum3A_43 [1, 2] : vector<1x32x16384xi32> to vector<1xi32>
    %reduce_sum3A_45 = vector.shape_cast %reduce_sum3A_44 : vector<1xi32> to vector<1x1x1xi32>
    %reduce_sum3A_46 = vector.extract %reduce_sum3A_45[0, 0, 0] : i32 from vector<1x1x1xi32>
    %ge3A_47 = arith.constant 262144 : i32
    %ge3A_48 = arith.cmpi sge, %reduce_sum3A_46, %ge3A_47 : i32
    %select_n3A_49 = arith.select %ge3A_48, %or3A_38, %select_n3A_36 : i32
    %or3A_50 = arith.constant 67108864 : i32
    %or3A_51 = arith.ori %select_n3A_49, %or3A_50 : i32
    %ge3A_52 = vector.broadcast %or3A_51 : i32 to vector<32x16384xi32>
    %ge3A_53 = arith.cmpi sge, %bitcast_convert_type3A, %ge3A_52 : vector<32x16384xi32>
    %convert_element_type3A_54 = arith.extui %ge3A_53 : vector<32x16384xi1> to vector<32x16384xi32>
    %reduce_sum3A_55 = vector.shape_cast %convert_element_type3A_54 : vector<32x16384xi32> to vector<1x32x16384xi32>
    %reduce_sum3A_56 = arith.constant dense<0> : vector<1xi32>
    %reduce_sum3A_57 = vector.multi_reduction <add>, %reduce_sum3A_55, %reduce_sum3A_56 [1, 2] : vector<1x32x16384xi32> to vector<1xi32>
    %reduce_sum3A_58 = vector.shape_cast %reduce_sum3A_57 : vector<1xi32> to vector<1x1x1xi32>
    %reduce_sum3A_59 = vector.extract %reduce_sum3A_58[0, 0, 0] : i32 from vector<1x1x1xi32>
    %ge3A_60 = arith.constant 262144 : i32
    %ge3A_61 = arith.cmpi sge, %reduce_sum3A_59, %ge3A_60 : i32
    %select_n3A_62 = arith.select %ge3A_61, %or3A_51, %select_n3A_49 : i32
    %or3A_63 = arith.constant 33554432 : i32
    %or3A_64 = arith.ori %select_n3A_62, %or3A_63 : i32
    %ge3A_65 = vector.broadcast %or3A_64 : i32 to vector<32x16384xi32>
    %ge3A_66 = arith.cmpi sge, %bitcast_convert_type3A, %ge3A_65 : vector<32x16384xi32>
    %convert_element_type3A_67 = arith.extui %ge3A_66 : vector<32x16384xi1> to vector<32x16384xi32>
    %reduce_sum3A_68 = vector.shape_cast %convert_element_type3A_67 : vector<32x16384xi32> to vector<1x32x16384xi32>
    %reduce_sum3A_69 = arith.constant dense<0> : vector<1xi32>
    %reduce_sum3A_70 = vector.multi_reduction <add>, %reduce_sum3A_68, %reduce_sum3A_69 [1, 2] : vector<1x32x16384xi32> to vector<1xi32>
    %reduce_sum3A_71 = vector.shape_cast %reduce_sum3A_70 : vector<1xi32> to vector<1x1x1xi32>
    %reduce_sum3A_72 = vector.extract %reduce_sum3A_71[0, 0, 0] : i32 from vector<1x1x1xi32>
    %ge3A_73 = arith.constant 262144 : i32
    %ge3A_74 = arith.cmpi sge, %reduce_sum3A_72, %ge3A_73 : i32
    %select_n3A_75 = arith.select %ge3A_74, %or3A_64, %select_n3A_62 : i32
    %or3A_76 = arith.constant 16777216 : i32
    %or3A_77 = arith.ori %select_n3A_75, %or3A_76 : i32
    %ge3A_78 = vector.broadcast %or3A_77 : i32 to vector<32x16384xi32>
    %ge3A_79 = arith.cmpi sge, %bitcast_convert_type3A, %ge3A_78 : vector<32x16384xi32>
    %convert_element_type3A_80 = arith.extui %ge3A_79 : vector<32x16384xi1> to vector<32x16384xi32>
    %reduce_sum3A_81 = vector.shape_cast %convert_element_type3A_80 : vector<32x16384xi32> to vector<1x32x16384xi32>
    %reduce_sum3A_82 = arith.constant dense<0> : vector<1xi32>
    %reduce_sum3A_83 = vector.multi_reduction <add>, %reduce_sum3A_81, %reduce_sum3A_82 [1, 2] : vector<1x32x16384xi32> to vector<1xi32>
    %reduce_sum3A_84 = vector.shape_cast %reduce_sum3A_83 : vector<1xi32> to vector<1x1x1xi32>
    %reduce_sum3A_85 = vector.extract %reduce_sum3A_84[0, 0, 0] : i32 from vector<1x1x1xi32>
    %ge3A_86 = arith.constant 262144 : i32
    %ge3A_87 = arith.cmpi sge, %reduce_sum3A_85, %ge3A_86 : i32
    %select_n3A_88 = arith.select %ge3A_87, %or3A_77, %select_n3A_75 : i32
    %or3A_89 = arith.constant 8388608 : i32
    %or3A_90 = arith.ori %select_n3A_88, %or3A_89 : i32
    %ge3A_91 = vector.broadcast %or3A_90 : i32 to vector<32x16384xi32>
    %ge3A_92 = arith.cmpi sge, %bitcast_convert_type3A, %ge3A_91 : vector<32x16384xi32>
    %convert_element_type3A_93 = arith.extui %ge3A_92 : vector<32x16384xi1> to vector<32x16384xi32>
    %reduce_sum3A_94 = vector.shape_cast %convert_element_type3A_93 : vector<32x16384xi32> to vector<1x32x16384xi32>
    %reduce_sum3A_95 = arith.constant dense<0> : vector<1xi32>
    %reduce_sum3A_96 = vector.multi_reduction <add>, %reduce_sum3A_94, %reduce_sum3A_95 [1, 2] : vector<1x32x16384xi32> to vector<1xi32>
    %reduce_sum3A_97 = vector.shape_cast %reduce_sum3A_96 : vector<1xi32> to vector<1x1x1xi32>
    %reduce_sum3A_98 = vector.extract %reduce_sum3A_97[0, 0, 0] : i32 from vector<1x1x1xi32>
    %ge3A_99 = arith.constant 262144 : i32
    %ge3A_100 = arith.cmpi sge, %reduce_sum3A_98, %ge3A_99 : i32
    %select_n3A_101 = arith.select %ge3A_100, %or3A_90, %select_n3A_88 : i32
    %or3A_102 = arith.constant 4194304 : i32
    %or3A_103 = arith.ori %select_n3A_101, %or3A_102 : i32
    %ge3A_104 = vector.broadcast %or3A_103 : i32 to vector<32x16384xi32>
    %ge3A_105 = arith.cmpi sge, %bitcast_convert_type3A, %ge3A_104 : vector<32x16384xi32>
    %convert_element_type3A_106 = arith.extui %ge3A_105 : vector<32x16384xi1> to vector<32x16384xi32>
    %reduce_sum3A_107 = vector.shape_cast %convert_element_type3A_106 : vector<32x16384xi32> to vector<1x32x16384xi32>
    %reduce_sum3A_108 = arith.constant dense<0> : vector<1xi32>
    %reduce_sum3A_109 = vector.multi_reduction <add>, %reduce_sum3A_107, %reduce_sum3A_108 [1, 2] : vector<1x32x16384xi32> to vector<1xi32>
    %reduce_sum3A_110 = vector.shape_cast %reduce_sum3A_109 : vector<1xi32> to vector<1x1x1xi32>
    %reduce_sum3A_111 = vector.extract %reduce_sum3A_110[0, 0, 0] : i32 from vector<1x1x1xi32>
    %ge3A_112 = arith.constant 262144 : i32
    %ge3A_113 = arith.cmpi sge, %reduce_sum3A_111, %ge3A_112 : i32
    %select_n3A_114 = arith.select %ge3A_113, %or3A_103, %select_n3A_101 : i32
    %or3A_115 = arith.constant 2097152 : i32
    %or3A_116 = arith.ori %select_n3A_114, %or3A_115 : i32
    %ge3A_117 = vector.broadcast %or3A_116 : i32 to vector<32x16384xi32>
    %ge3A_118 = arith.cmpi sge, %bitcast_convert_type3A, %ge3A_117 : vector<32x16384xi32>
    %convert_element_type3A_119 = arith.extui %ge3A_118 : vector<32x16384xi1> to vector<32x16384xi32>
    %reduce_sum3A_120 = vector.shape_cast %convert_element_type3A_119 : vector<32x16384xi32> to vector<1x32x16384xi32>
    %reduce_sum3A_121 = arith.constant dense<0> : vector<1xi32>
    %reduce_sum3A_122 = vector.multi_reduction <add>, %reduce_sum3A_120, %reduce_sum3A_121 [1, 2] : vector<1x32x16384xi32> to vector<1xi32>
    %reduce_sum3A_123 = vector.shape_cast %reduce_sum3A_122 : vector<1xi32> to vector<1x1x1xi32>
    %reduce_sum3A_124 = vector.extract %reduce_sum3A_123[0, 0, 0] : i32 from vector<1x1x1xi32>
    %ge3A_125 = arith.constant 262144 : i32
    %ge3A_126 = arith.cmpi sge, %reduce_sum3A_124, %ge3A_125 : i32
    %select_n3A_127 = arith.select %ge3A_126, %or3A_116, %select_n3A_114 : i32
    %or3A_128 = arith.constant 1048576 : i32
    %or3A_129 = arith.ori %select_n3A_127, %or3A_128 : i32
    %ge3A_130 = vector.broadcast %or3A_129 : i32 to vector<32x16384xi32>
    %ge3A_131 = arith.cmpi sge, %bitcast_convert_type3A, %ge3A_130 : vector<32x16384xi32>
    %convert_element_type3A_132 = arith.extui %ge3A_131 : vector<32x16384xi1> to vector<32x16384xi32>
    %reduce_sum3A_133 = vector.shape_cast %convert_element_type3A_132 : vector<32x16384xi32> to vector<1x32x16384xi32>
    %reduce_sum3A_134 = arith.constant dense<0> : vector<1xi32>
    %reduce_sum3A_135 = vector.multi_reduction <add>, %reduce_sum3A_133, %reduce_sum3A_134 [1, 2] : vector<1x32x16384xi32> to vector<1xi32>
    %reduce_sum3A_136 = vector.shape_cast %reduce_sum3A_135 : vector<1xi32> to vector<1x1x1xi32>
    %reduce_sum3A_137 = vector.extract %reduce_sum3A_136[0, 0, 0] : i32 from vector<1x1x1xi32>
    %ge3A_138 = arith.constant 262144 : i32
    %ge3A_139 = arith.cmpi sge, %reduce_sum3A_137, %ge3A_138 : i32
    %select_n3A_140 = arith.select %ge3A_139, %or3A_129, %select_n3A_127 : i32
    %or3A_141 = arith.constant 524288 : i32
    %or3A_142 = arith.ori %select_n3A_140, %or3A_141 : i32
    %ge3A_143 = vector.broadcast %or3A_142 : i32 to vector<32x16384xi32>
    %ge3A_144 = arith.cmpi sge, %bitcast_convert_type3A, %ge3A_143 : vector<32x16384xi32>
    %convert_element_type3A_145 = arith.extui %ge3A_144 : vector<32x16384xi1> to vector<32x16384xi32>
    %reduce_sum3A_146 = vector.shape_cast %convert_element_type3A_145 : vector<32x16384xi32> to vector<1x32x16384xi32>
    %reduce_sum3A_147 = arith.constant dense<0> : vector<1xi32>
    %reduce_sum3A_148 = vector.multi_reduction <add>, %reduce_sum3A_146, %reduce_sum3A_147 [1, 2] : vector<1x32x16384xi32> to vector<1xi32>
    %reduce_sum3A_149 = vector.shape_cast %reduce_sum3A_148 : vector<1xi32> to vector<1x1x1xi32>
    %reduce_sum3A_150 = vector.extract %reduce_sum3A_149[0, 0, 0] : i32 from vector<1x1x1xi32>
    %ge3A_151 = arith.constant 262144 : i32
    %ge3A_152 = arith.cmpi sge, %reduce_sum3A_150, %ge3A_151 : i32
    %select_n3A_153 = arith.select %ge3A_152, %or3A_142, %select_n3A_140 : i32
    %or3A_154 = arith.constant 262144 : i32
    %or3A_155 = arith.ori %select_n3A_153, %or3A_154 : i32
    %ge3A_156 = vector.broadcast %or3A_155 : i32 to vector<32x16384xi32>
    %ge3A_157 = arith.cmpi sge, %bitcast_convert_type3A, %ge3A_156 : vector<32x16384xi32>
    %convert_element_type3A_158 = arith.extui %ge3A_157 : vector<32x16384xi1> to vector<32x16384xi32>
    %reduce_sum3A_159 = vector.shape_cast %convert_element_type3A_158 : vector<32x16384xi32> to vector<1x32x16384xi32>
    %reduce_sum3A_160 = arith.constant dense<0> : vector<1xi32>
    %reduce_sum3A_161 = vector.multi_reduction <add>, %reduce_sum3A_159, %reduce_sum3A_160 [1, 2] : vector<1x32x16384xi32> to vector<1xi32>
    %reduce_sum3A_162 = vector.shape_cast %reduce_sum3A_161 : vector<1xi32> to vector<1x1x1xi32>
    %reduce_sum3A_163 = vector.extract %reduce_sum3A_162[0, 0, 0] : i32 from vector<1x1x1xi32>
    %ge3A_164 = arith.constant 262144 : i32
    %ge3A_165 = arith.cmpi sge, %reduce_sum3A_163, %ge3A_164 : i32
    %select_n3A_166 = arith.select %ge3A_165, %or3A_155, %select_n3A_153 : i32
    %or3A_167 = arith.constant 131072 : i32
    %or3A_168 = arith.ori %select_n3A_166, %or3A_167 : i32
    %ge3A_169 = vector.broadcast %or3A_168 : i32 to vector<32x16384xi32>
    %ge3A_170 = arith.cmpi sge, %bitcast_convert_type3A, %ge3A_169 : vector<32x16384xi32>
    %convert_element_type3A_171 = arith.extui %ge3A_170 : vector<32x16384xi1> to vector<32x16384xi32>
    %reduce_sum3A_172 = vector.shape_cast %convert_element_type3A_171 : vector<32x16384xi32> to vector<1x32x16384xi32>
    %reduce_sum3A_173 = arith.constant dense<0> : vector<1xi32>
    %reduce_sum3A_174 = vector.multi_reduction <add>, %reduce_sum3A_172, %reduce_sum3A_173 [1, 2] : vector<1x32x16384xi32> to vector<1xi32>
    %reduce_sum3A_175 = vector.shape_cast %reduce_sum3A_174 : vector<1xi32> to vector<1x1x1xi32>
    %reduce_sum3A_176 = vector.extract %reduce_sum3A_175[0, 0, 0] : i32 from vector<1x1x1xi32>
    %ge3A_177 = arith.constant 262144 : i32
    %ge3A_178 = arith.cmpi sge, %reduce_sum3A_176, %ge3A_177 : i32
    %select_n3A_179 = arith.select %ge3A_178, %or3A_168, %select_n3A_166 : i32
    %or3A_180 = arith.constant 65536 : i32
    %or3A_181 = arith.ori %select_n3A_179, %or3A_180 : i32
    %ge3A_182 = vector.broadcast %or3A_181 : i32 to vector<32x16384xi32>
    %ge3A_183 = arith.cmpi sge, %bitcast_convert_type3A, %ge3A_182 : vector<32x16384xi32>
    %convert_element_type3A_184 = arith.extui %ge3A_183 : vector<32x16384xi1> to vector<32x16384xi32>
    %reduce_sum3A_185 = vector.shape_cast %convert_element_type3A_184 : vector<32x16384xi32> to vector<1x32x16384xi32>
    %reduce_sum3A_186 = arith.constant dense<0> : vector<1xi32>
    %reduce_sum3A_187 = vector.multi_reduction <add>, %reduce_sum3A_185, %reduce_sum3A_186 [1, 2] : vector<1x32x16384xi32> to vector<1xi32>
    %reduce_sum3A_188 = vector.shape_cast %reduce_sum3A_187 : vector<1xi32> to vector<1x1x1xi32>
    %reduce_sum3A_189 = vector.extract %reduce_sum3A_188[0, 0, 0] : i32 from vector<1x1x1xi32>
    %ge3A_190 = arith.constant 262144 : i32
    %ge3A_191 = arith.cmpi sge, %reduce_sum3A_189, %ge3A_190 : i32
    %select_n3A_192 = arith.select %ge3A_191, %or3A_181, %select_n3A_179 : i32
    %or3A_193 = arith.constant 32768 : i32
    %or3A_194 = arith.ori %select_n3A_192, %or3A_193 : i32
    %ge3A_195 = vector.broadcast %or3A_194 : i32 to vector<32x16384xi32>
    %ge3A_196 = arith.cmpi sge, %bitcast_convert_type3A, %ge3A_195 : vector<32x16384xi32>
    %convert_element_type3A_197 = arith.extui %ge3A_196 : vector<32x16384xi1> to vector<32x16384xi32>
    %reduce_sum3A_198 = vector.shape_cast %convert_element_type3A_197 : vector<32x16384xi32> to vector<1x32x16384xi32>
    %reduce_sum3A_199 = arith.constant dense<0> : vector<1xi32>
    %reduce_sum3A_200 = vector.multi_reduction <add>, %reduce_sum3A_198, %reduce_sum3A_199 [1, 2] : vector<1x32x16384xi32> to vector<1xi32>
    %reduce_sum3A_201 = vector.shape_cast %reduce_sum3A_200 : vector<1xi32> to vector<1x1x1xi32>
    %reduce_sum3A_202 = vector.extract %reduce_sum3A_201[0, 0, 0] : i32 from vector<1x1x1xi32>
    %ge3A_203 = arith.constant 262144 : i32
    %ge3A_204 = arith.cmpi sge, %reduce_sum3A_202, %ge3A_203 : i32
    %select_n3A_205 = arith.select %ge3A_204, %or3A_194, %select_n3A_192 : i32
    %or3A_206 = arith.constant 16384 : i32
    %or3A_207 = arith.ori %select_n3A_205, %or3A_206 : i32
    %ge3A_208 = vector.broadcast %or3A_207 : i32 to vector<32x16384xi32>
    %ge3A_209 = arith.cmpi sge, %bitcast_convert_type3A, %ge3A_208 : vector<32x16384xi32>
    %convert_element_type3A_210 = arith.extui %ge3A_209 : vector<32x16384xi1> to vector<32x16384xi32>
    %reduce_sum3A_211 = vector.shape_cast %convert_element_type3A_210 : vector<32x16384xi32> to vector<1x32x16384xi32>
    %reduce_sum3A_212 = arith.constant dense<0> : vector<1xi32>
    %reduce_sum3A_213 = vector.multi_reduction <add>, %reduce_sum3A_211, %reduce_sum3A_212 [1, 2] : vector<1x32x16384xi32> to vector<1xi32>
    %reduce_sum3A_214 = vector.shape_cast %reduce_sum3A_213 : vector<1xi32> to vector<1x1x1xi32>
    %reduce_sum3A_215 = vector.extract %reduce_sum3A_214[0, 0, 0] : i32 from vector<1x1x1xi32>
    %ge3A_216 = arith.constant 262144 : i32
    %ge3A_217 = arith.cmpi sge, %reduce_sum3A_215, %ge3A_216 : i32
    %select_n3A_218 = arith.select %ge3A_217, %or3A_207, %select_n3A_205 : i32
    %or3A_219 = arith.constant 8192 : i32
    %or3A_220 = arith.ori %select_n3A_218, %or3A_219 : i32
    %ge3A_221 = vector.broadcast %or3A_220 : i32 to vector<32x16384xi32>
    %ge3A_222 = arith.cmpi sge, %bitcast_convert_type3A, %ge3A_221 : vector<32x16384xi32>
    %convert_element_type3A_223 = arith.extui %ge3A_222 : vector<32x16384xi1> to vector<32x16384xi32>
    %reduce_sum3A_224 = vector.shape_cast %convert_element_type3A_223 : vector<32x16384xi32> to vector<1x32x16384xi32>
    %reduce_sum3A_225 = arith.constant dense<0> : vector<1xi32>
    %reduce_sum3A_226 = vector.multi_reduction <add>, %reduce_sum3A_224, %reduce_sum3A_225 [1, 2] : vector<1x32x16384xi32> to vector<1xi32>
    %reduce_sum3A_227 = vector.shape_cast %reduce_sum3A_226 : vector<1xi32> to vector<1x1x1xi32>
    %reduce_sum3A_228 = vector.extract %reduce_sum3A_227[0, 0, 0] : i32 from vector<1x1x1xi32>
    %ge3A_229 = arith.constant 262144 : i32
    %ge3A_230 = arith.cmpi sge, %reduce_sum3A_228, %ge3A_229 : i32
    %select_n3A_231 = arith.select %ge3A_230, %or3A_220, %select_n3A_218 : i32
    %or3A_232 = arith.constant 4096 : i32
    %or3A_233 = arith.ori %select_n3A_231, %or3A_232 : i32
    %ge3A_234 = vector.broadcast %or3A_233 : i32 to vector<32x16384xi32>
    %ge3A_235 = arith.cmpi sge, %bitcast_convert_type3A, %ge3A_234 : vector<32x16384xi32>
    %convert_element_type3A_236 = arith.extui %ge3A_235 : vector<32x16384xi1> to vector<32x16384xi32>
    %reduce_sum3A_237 = vector.shape_cast %convert_element_type3A_236 : vector<32x16384xi32> to vector<1x32x16384xi32>
    %reduce_sum3A_238 = arith.constant dense<0> : vector<1xi32>
    %reduce_sum3A_239 = vector.multi_reduction <add>, %reduce_sum3A_237, %reduce_sum3A_238 [1, 2] : vector<1x32x16384xi32> to vector<1xi32>
    %reduce_sum3A_240 = vector.shape_cast %reduce_sum3A_239 : vector<1xi32> to vector<1x1x1xi32>
    %reduce_sum3A_241 = vector.extract %reduce_sum3A_240[0, 0, 0] : i32 from vector<1x1x1xi32>
    %ge3A_242 = arith.constant 262144 : i32
    %ge3A_243 = arith.cmpi sge, %reduce_sum3A_241, %ge3A_242 : i32
    %select_n3A_244 = arith.select %ge3A_243, %or3A_233, %select_n3A_231 : i32
    %bitcast_convert_type3A_245 = arith.bitcast %select_n3A_244 : i32 to f32
    %broadcast_in_dim3A = vector.broadcast %bitcast_convert_type3A_245 : f32 to vector<8x128xf32>
    %swap3A = arith.constant 0 : index
    %swap3A_246 = arith.constant 0 : index
    %swap3A_247 = vector.load %arg1[%swap3A, %swap3A_246] : memref<8x128xf32, #tpu.memory_space<vmem>>, vector<8x128xf32>
    tpu.vector_store %arg1[%swap3A, %swap3A_246], %broadcast_in_dim3A {strides = array<i32>} : memref<8x128xf32, #tpu.memory_space<vmem>>, vector<8x128xf32>,
    return
  }
}

module attributes {stable_mosaic.version = 14 : i64} {
  func.func @_mm_body(%arg0: i32, %arg1: i32, %arg2: memref<1024x768xf32, #tpu.memory_space<vmem>>, %arg3: memref<768x2048xf32, #tpu.memory_space<vmem>>, %arg4: memref<1x2048xf32, #tpu.memory_space<vmem>>, %arg5: memref<1024x2048xf32, #tpu.memory_space<vmem>>, %arg6: memref<8x2048xf32, #tpu.memory_space<vmem>>) attributes {dimension_semantics = [#tpu.dimension_semantics<arbitrary>, #tpu.dimension_semantics<arbitrary>], iteration_bounds = array<i64: 4, 8>, scalar_prefetch = 0 : i64, scratch_operands = 0 : i64, tpu.core_type = #tpu.core_type<tc>, window_params = [{transform_indices = @transform_0, window_bounds = array<i64: 1024, 768>}, {transform_indices = @transform_1, window_bounds = array<i64: 768, 2048>}, {transform_indices = @transform_2, window_bounds = array<i64: 1, 2048>}, {transform_indices = @transform_3, window_bounds = array<i64: 1024, 2048>}, {transform_indices = @transform_4, window_bounds = array<i64: 8, 2048>}]} {
    %get3A = arith.constant 0 : index
    %get3A_0 = arith.constant 0 : index
    %get3A_1 = vector.load %arg2[%get3A, %get3A_0] : memref<1024x768xf32, #tpu.memory_space<vmem>>, vector<1024x768xf32>
    %get3A_2 = arith.constant 0 : index
    %get3A_3 = arith.constant 0 : index
    %get3A_4 = vector.load %arg3[%get3A_2, %get3A_3] : memref<768x2048xf32, #tpu.memory_space<vmem>>, vector<768x2048xf32>
    %dot_general3A = arith.constant dense<0.000000e+00> : vector<1024x2048xf32>
    %dot_general3A_5 = tpu.matmul %get3A_1, %get3A_4, %dot_general3A {dimension_numbers = #tpu.dot_dimension_numbers<[1], [0], [0], [1], [0, 0, 1, 1], [], []>, transpose_lhs_hint = false} : vector<1024x768xf32>, vector<768x2048xf32>, vector<1024x2048xf32> -> vector<1024x2048xf32>
    %get3A_6 = arith.constant 0 : index
    %get3A_7 = arith.constant 0 : index
    %get3A_8 = vector.load %arg4[%get3A_6, %get3A_7] : memref<1x2048xf32, #tpu.memory_space<vmem>>, vector<1x2048xf32>
    %add3A = vector.broadcast %get3A_8 : vector<1x2048xf32> to vector<1024x2048xf32>
    %add3A_9 = arith.addf %dot_general3A_5, %add3A : vector<1024x2048xf32>
    %max3A = arith.constant 0.000000e+00 : f32
    %max3A_10 = vector.broadcast %max3A : f32 to vector<1024x2048xf32>
    %max3A_11 = arith.maximumf %add3A_9, %max3A_10 : vector<1024x2048xf32>
    %swap3A = arith.constant 0 : index
    %swap3A_12 = arith.constant 0 : index
    %swap3A_13 = vector.load %arg5[%swap3A, %swap3A_12] : memref<1024x2048xf32, #tpu.memory_space<vmem>>, vector<1024x2048xf32>
    tpu.vector_store %arg5[%swap3A, %swap3A_12], %max3A_11 {strides = array<i32>} : memref<1024x2048xf32, #tpu.memory_space<vmem>>, vector<1024x2048xf32>,
    %reshape3A = vector.shape_cast %max3A_11 : vector<1024x2048xf32> to vector<8x128x2048xf32>
    %reduce_max3A = arith.constant dense<0xFF800000> : vector<8x2048xf32>
    %reduce_max3A_14 = vector.multi_reduction <maximumf>, %reshape3A, %reduce_max3A [1] : vector<8x128x2048xf32> to vector<8x2048xf32>
    %swap3A_15 = arith.constant 0 : index
    %swap3A_16 = arith.constant 0 : index
    %swap3A_17 = vector.load %arg6[%swap3A_15, %swap3A_16] : memref<8x2048xf32, #tpu.memory_space<vmem>>, vector<8x2048xf32>
    tpu.vector_store %arg6[%swap3A_15, %swap3A_16], %reduce_max3A_14 {strides = array<i32>} : memref<8x2048xf32, #tpu.memory_space<vmem>>, vector<8x2048xf32>,
    return
  }
  func.func @transform_0(%arg0: i32, %arg1: i32) -> (i32, i32) {
    %c0_i32 = arith.constant 0 : i32
    %c0_i32_0 = arith.constant 0 : i32
    return %arg0, %c0_i32 : i32, i32
  }
  func.func @transform_1(%arg0: i32, %arg1: i32) -> (i32, i32) {
    %c0_i32 = arith.constant 0 : i32
    %c0_i32_0 = arith.constant 0 : i32
    return %c0_i32, %arg1 : i32, i32
  }
  func.func @transform_2(%arg0: i32, %arg1: i32) -> (i32, i32) {
    %c0_i32 = arith.constant 0 : i32
    %c0_i32_0 = arith.constant 0 : i32
    return %c0_i32, %arg1 : i32, i32
  }
  func.func @transform_3(%arg0: i32, %arg1: i32) -> (i32, i32) {
    %c0_i32 = arith.constant 0 : i32
    return %arg0, %arg1 : i32, i32
  }
  func.func @transform_4(%arg0: i32, %arg1: i32) -> (i32, i32) {
    %c0_i32 = arith.constant 0 : i32
    return %arg0, %arg1 : i32, i32
  }
}

module attributes {stable_mosaic.version = 14 : i64} {
  func.func @_mask_body(%arg0: i32, %arg1: i32, %arg2: memref<1x1xf32, #tpu.memory_space<smem>>, %arg3: memref<512x4096xf32, #tpu.memory_space<vmem>>, %arg4: memref<512x4096xf32, #tpu.memory_space<vmem>>) attributes {dimension_semantics = [#tpu.dimension_semantics<arbitrary>, #tpu.dimension_semantics<arbitrary>], iteration_bounds = array<i64: 8, 4>, scalar_prefetch = 0 : i64, scratch_operands = 0 : i64, tpu.core_type = #tpu.core_type<tc>, window_params = [{transform_indices = @transform_0, window_bounds = array<i64: 1, 1>}, {transform_indices = @transform_1, window_bounds = array<i64: 512, 4096>}, {transform_indices = @transform_2, window_bounds = array<i64: 512, 4096>}]} {
    %get3A = arith.constant 0 : index
    %get3A_0 = arith.constant 0 : index
    %get3A_1 = memref.load %arg2[%get3A, %get3A_0] : memref<1x1xf32, #tpu.memory_space<smem>>
    %get3A_2 = arith.constant 0 : index
    %get3A_3 = arith.constant 0 : index
    %get3A_4 = vector.load %arg3[%get3A_2, %get3A_3] : memref<512x4096xf32, #tpu.memory_space<vmem>>, vector<512x4096xf32>
    %ge3A = vector.broadcast %get3A_1 : f32 to vector<512x4096xf32>
    %ge3A_5 = arith.cmpf oge, %get3A_4, %ge3A : vector<512x4096xf32>
    %jit3A = arith.constant 0.000000e+00 : f32
    %broadcast_in_dim3A = vector.broadcast %jit3A : f32 to vector<512x4096xf32>
    %select_n3A = arith.select %ge3A_5, %get3A_4, %broadcast_in_dim3A : vector<512x4096xi1>, vector<512x4096xf32>
    %swap3A = arith.constant 0 : index
    %swap3A_6 = arith.constant 0 : index
    %swap3A_7 = vector.load %arg4[%swap3A, %swap3A_6] : memref<512x4096xf32, #tpu.memory_space<vmem>>, vector<512x4096xf32>
    tpu.vector_store %arg4[%swap3A, %swap3A_6], %select_n3A {strides = array<i32>} : memref<512x4096xf32, #tpu.memory_space<vmem>>, vector<512x4096xf32>,
    return
  }
  func.func @transform_0(%arg0: i32, %arg1: i32) -> (i32, i32) {
    %c0_i32 = arith.constant 0 : i32
    %c0_i32_0 = arith.constant 0 : i32
    %c0_i32_1 = arith.constant 0 : i32
    return %c0_i32, %c0_i32_0 : i32, i32
  }
  func.func @transform_1(%arg0: i32, %arg1: i32) -> (i32, i32) {
    %c0_i32 = arith.constant 0 : i32
    return %arg0, %arg1 : i32, i32
  }
  func.func @transform_2(%arg0: i32, %arg1: i32) -> (i32, i32) {
    %c0_i32 = arith.constant 0 : i32
    return %arg0, %arg1 : i32, i32
  }
}

</mosaic_0001>

<sc_bundles>
// kernel: kernel.7.cloned.1.call-start
scs
__scs_entry_jumppad:
0x0: {  	(pc) =	sbr.rel $0x88, $3  }
0x1: {  	(tag) =	ssettag $0x0;
	lr =	simm.s32 $0x1  }
0x2: {  	[smem:$0x3F9E] =	sst lr;
	_ =	strace $0xD0000000  }
0x3: {  	_ = 	snop  }
0x4: {  	_ = 	snop  }
0x5: {  	_ = 	snop  }
0x6: {  	_ = 	snop  }
0x7: {  	_ = 	snop  }
__scs_overlays_trampoline_lowered:
0x8: {  	[smem:$0x3FAD] =	sst s0  }
0x9: {  	[smem:$0x3FAE] =	sst s1  }
0xa: {  	[smem:$0x3FAF] =	sst s2  }
0xb: {  	[smem:$0x3FB0] =	sst s3  }
0xc: {  	[smem:$0x3FB1] =	sst s4  }
0xd: {  	[smem:$0x3FB2] =	sst s5  }
0xe: {  	[smem:$0x3FB3] =	sst s6  }
0xf: {  	[smem:$0x3FB4] =	sst s7  }
0x10: {  	[smem:$0x3FB5] =	sst s8  }
0x11: {  	[smem:$0x3FB6] =	sst s9;
	s0 =	simm.s32 @!p0 $0x0  }
0x12: {  	s1 =	sld [smem:$0x3F9C];
	s0 =	simm.s32 @p0 $0x1  }
0x13: {  	[smem:$0x3FB7] =	sst s0;
	s0 =	simm.s32 @!p1 $0x0  }
0x14: {  	s2 =	sld [smem:$0x3F9B];
	s0 =	simm.s32 @p1 $0x1  }
0x15: {  	[smem:$0x3FB8] =	sst s0;
	s0 =	simm.s32 @!p2 $0x0  }
0x16: {  	s3 =	sld [smem:$0x3FDB];
	s0 =	simm.s32 @p2 $0x1  }
0x17: {  	s4 =	simm.s32 $0x1BF5;
	[smem:$0x3FBA] =	sst s0  }
0x18: {  	s0 =	sld [smem:$0x3F9D];
	_ =	swait.ge [sflag:s4], $0x0  }
0x19: {  	s7 =	sld [smem:$0x3F9E]  }
0x1a: {  	s8 =	sadd.s32 $0xFFFFE003, lr  }
0x1b: {  	s9 =	sadd.s32 $0xFFFFFEF7, lr;
	s5 =	simm.s32 $0xFFFFFFFF;
	p2 =	slt.u32 s8, $0xFFFFF086  }
0x1c: {  	p1 =	slt.u32 s9, $0xF7A;
	s5 =	simm.s32 @!p2 $0x0  }
0x1d: {  	s5 =	simm.s32 @p1 $0x1;
	p0 =	seq.s32 s7, s2  }
0x1e: {  	s7 =	smul.u32 @!p0 $0xF7A, s2;
	p2 =	seq.s32 @!p0 s5, $0x0  }
0x1f: {  	s9 =	smul.u32 $0xF7A, s1;
	s8 =	simm.s32 @!p0 $0x1BF5;
	p2 =	por !p2, p0  }
0x20: {  	[sflag:s8] =	ssyncset.s32 @!p0 $0xFFFFF086;
	s6 =	sadd.s32 @!p0 s3, s7;
	s7 =	simm.s32 @!p0 $0x108  }
0x21: {  	s3 =	sadd.s32 s3, s9;
	s6 =	sadd.s32 @!p0 $0x88, s6;
	s7 =	simm.s32 @p2 $0x1082  }
0x22: {  	[simem:s7], [sflag:s8] =	dma.local @!p0 [hbm:s6], $0xF7A  }
0x23: {  	s9 =	sor.u32 $0xD0000000, s2;
	s6 =	simm.s32 $0x108;
	_ =	swait.ge @!p0 [sflag:s8], $0x0  }
0x24: {  	s3 =	sadd.s32 $0x88, s3;
	s6 =	simm.s32 @!p1 $0x1082;
	[sflag:s4] =	ssyncset.s32 $0xFFFFF086  }
0x25: {  	[simem:s6], [sflag:s4] =	dma.local [hbm:s3], $0xF7A  }
0x26: {  	[smem:$0x3F9E] =	sst s1;
	(tag) =	ssettag s2;
	_ =	strace s9  }
0x27: {  	s1 =	sld [smem:$0x3FAE]  }
0x28: {  	s2 =	sld [smem:$0x3FAF]  }
0x29: {  	s4 =	sld [smem:$0x3FB1]  }
0x2a: {  	p0 =	seq.s32 s5, $0x0;
	s5 =	sld [smem:$0x3FB2]  }
0x2b: {  	s6 =	sld [smem:$0x3FB3]  }
0x2c: {  	s7 =	sld [smem:$0x3FB4]  }
0x2d: {  	s3 =	simm.s32 $0x108;
	s8 =	sld [smem:$0x3FB5]  }
0x2e: {  	s3 =	simm.s32 @!p0 $0x1082;
	s9 =	sld [smem:$0x3FB6]  }
0x2f: {  	lr =	sadd.s32 s0, s3;
	s0 =	sld [smem:$0x3FAD]  }
0x30: {  	s3 =	sld [smem:$0x3FB0]  }
0x31: {  	[smem:$0x3FB9] =	sst s10  }
0x32: {  	s10 =	sld [smem:$0x3FB7];
	_ =	sdelay $0x3  }
0x33: {  	p0 =	seq.s32 s10, $0x1;
	s10 =	sld [smem:$0x3FB9];
	_ =	sdelay $0x3  }
0x34: {  	[smem:$0x3FB9] =	sst s10  }
0x35: {  	s10 =	sld [smem:$0x3FB8];
	_ =	sdelay $0x3  }
0x36: {  	p1 =	seq.s32 s10, $0x1;
	s10 =	sld [smem:$0x3FB9];
	_ =	sdelay $0x3  }
0x37: {  	[smem:$0x3FB9] =	sst s10  }
0x38: {  	s10 =	sld [smem:$0x3FBA]  }
0x39: {  	_ = 	snop;
	(pc) =	sbr.ind lr, $3  }
0x3a: {  	_ = 	snop  }
0x3b: {  	_ = 	snop  }
0x3c: {  	p2 =	seq.s32 s10, $0x1;
	s10 =	sld [smem:$0x3FB9]  }
0x3d: {  	_ =	shalt  }
0x3e: {  	_ =	shalt  }
0x3f: {  	_ =	shalt  }
0x40: {  	_ =	shalt  }
0x41: {  	_ =	shalt  }
0x42: {  	_ =	shalt  }
0x43: {  	_ =	shalt  }
0x44: {  	_ =	shalt  }
0x45: {  	_ =	shalt  }
0x46: {  	_ =	shalt  }
0x47: {  	_ =	shalt  }
0x48: {  	_ =	shalt  }
0x49: {  	_ =	shalt  }
0x4a: {  	_ =	shalt  }
0x4b: {  	_ =	shalt  }
0x4c: {  	_ =	shalt  }
0x4d: {  	_ =	shalt  }
0x4e: {  	_ =	shalt  }
0x4f: {  	_ =	shalt  }
0x50: {  	_ =	shalt  }
0x51: {  	_ =	shalt  }
0x52: {  	_ =	shalt  }
0x53: {  	_ =	shalt  }
0x54: {  	_ =	shalt  }
0x55: {  	_ =	shalt  }
0x56: {  	_ =	shalt  }
0x57: {  	_ =	shalt  }
0x58: {  	_ =	shalt  }
0x59: {  	_ =	shalt  }
0x5a: {  	_ =	shalt  }
0x5b: {  	_ =	shalt  }
0x5c: {  	_ =	shalt  }
0x5d: {  	_ =	shalt  }
0x5e: {  	_ =	shalt  }
0x5f: {  	_ =	shalt  }
0x60: {  	_ =	shalt  }
0x61: {  	_ =	shalt  }
0x62: {  	_ =	shalt  }
0x63: {  	_ =	shalt  }
0x64: {  	_ =	shalt  }
0x65: {  	_ =	shalt  }
0x66: {  	_ =	shalt  }
0x67: {  	_ =	shalt  }
0x68: {  	_ =	shalt  }
0x69: {  	_ =	shalt  }
0x6a: {  	_ =	shalt  }
0x6b: {  	_ =	shalt  }
0x6c: {  	_ =	shalt  }
0x6d: {  	_ =	shalt  }
0x6e: {  	_ =	shalt  }
0x6f: {  	_ =	shalt  }
0x70: {  	_ =	shalt  }
0x71: {  	_ =	shalt  }
0x72: {  	_ =	shalt  }
0x73: {  	_ =	shalt  }
0x74: {  	_ =	shalt  }
0x75: {  	_ =	shalt  }
0x76: {  	_ =	shalt  }
0x77: {  	_ =	shalt  }
0x78: {  	_ =	shalt  }
0x79: {  	_ =	shalt  }
0x7a: {  	_ =	shalt  }
0x7b: {  	_ =	shalt  }
0x7c: {  	_ =	shalt  }
0x7d: {  	_ =	shalt  }
0x7e: {  	_ =	shalt  }
0x7f: {  	_ =	shalt  }
0x80: {  	_ =	shalt  }
0x81: {  	_ =	shalt  }
0x82: {  	_ =	shalt  }
0x83: {  	_ =	shalt  }
0x84: {  	_ =	shalt  }
0x85: {  	_ =	shalt  }
0x86: {  	_ =	shalt  }
0x87: {  	_ =	shalt  }
.Lfunc_end0:
.L_simem_size_0:
called_computation_lowered:
.L_overlay_start_0:
0x88: {  	s2 =	sld [smem:$0x3FD9]  }
0x89: {  	s3 =	sld [smem:$0x3FFE];
	_ =	sdelay $0x1  }
0x8a: {  	s1 =	srdreg.scid  }
0x8b: {  	s0 =	sand.u32 $0x1, s1  }
0x8c: {  	s17 =	sshll.u32 s0, $0xA;
	s2 =	sadd.s32 s3, s2  }
0x8d: {  	s2 =	sadd.s32 s2, s17  }
0x8e: {  	[smem:$0x3FC5] =	sst s2  }
0x8f: {  	_ = 	snop  }
0x90: {  	s2 =	sld [smem:$0x3FD0];
	(tm) =	ssettm $0x1  }
0x91: {  	s18 =	sld [smem:$0x3FFB];
	_ =	sdelay $0x3  }
0x92: {  	_ =	strace s18  }
0x93: {  	s3 =	sld [smem:$0x3FFC];
	_ =	sdelay $0x3  }
0x94: {  	_ =	strace s3  }
0x95: {  	s3 =	sld [smem:$0x3FFD];
	_ =	sdelay $0x3  }
0x96: {  	_ =	strace s3  }
0x97: {  	_ =	strace $0x8FFFFFFF  }
0x98: {  	s19 =	sld [smem:$0x3FDB];
	_ =	sdelay $0x1  }
0x99: {  	s4 =	simm.s32 $_scs_section_size  }
0x9a: {  	s5 =	simm.s32 $_size__tile_overlayer_lowered;
	s6 =	simm.s32 $_tile_overlayer_lowered  }
0x9b: {  	s22 =	simm.s32 $0x1BFF;
	s21 =	sshll.u32 s6, $0x1;
	s3 =	sadd.s32 s4, s19  }
0x9c: {  	s7 =	simm.s32 $0x0;
	s20 =	sshll.u32 s5, $0x1;
	s5 =	sadd.s32 s21, s3  }
0x9d: {  	[timem:s7], [sflag:s22] =	dma.local [hbm:s5], s20  }
0x9e: {  	_ =	swait.ge [sflag:s22], s20  }
0x9f: {  	s4 =	ssub.s32 $0x0, s20;
	[sflag:s22] =	ssyncset.done $0x0  }
0xa0: {  	[sflag:s22] =	ssyncadd.s32 s4;
	_ =	sdelay $0x1  }
0xa1: {  	s23 =	simm.s32 $0x1B8B  }
0xa2: {  	_ =	swait.ge [sflag:s23], $0x1  }
0xa3: {  	[sflag:s23] =	ssyncset.done $0x0  }
0xa4: {  	s25 =	simm.s32 $0x1B8E;
	s24 =	sld [smem:$0x3FFE];
	[sflag:s23] =	ssyncadd.s32 $0xFFFFFFFF  }
0xa5: {  	s26 =	simm.s32 $execute0_lowered;
	[smem:$0x3FD2] =	sst s25  }
0xa6: {  	s5 =	sshll.u32 s26, $0x1;
	_ =	strace $0x80000046;
	[dreg:$0x1] =	wrdreg $0xFFFFFFFF  }
0xa7: {  	s28 =	simm.s32 $_size_execute0_lowered;
	s3 =	sadd.s32 s3, s5;
	[dreg:$0x0] =	wrdreg $0x0  }
0xa8: {  	s5 =	sshll.u32 s28, $0x1;
	[dreg:$0x2] =	wrdreg s3  }
0xa9: {  	[dreg:$0x3] =	wrdreg s5  }
0xaa: {  	[dreg:$0x4] =	wrdreg $0xC0  }
0xab: {  	_ =	task [dreg:s7], $0x5FFFF  }
0xac: {  	[dreg:$0x1] =	wrdreg $0xFFFFFFFF  }
0xad: {  	[dreg:$0x0] =	wrdreg $0x60  }
0xae: {  	[dreg:$0x2] =	wrdreg s24  }
0xaf: {  	[dreg:$0x3] =	wrdreg s2  }
0xb0: {  	[dreg:$0x4] =	wrdreg $0x9  }
0xb1: {  	_ =	task.clear_ibuf [dreg:s7], $0x5FFFF;
	_ =	strace $0x90000046  }
0xb2: {  	s29 =	simm.s32 $0x9;
	_ =	strace $0x80000048  }
0xb3: {  	_ =	swait.ge [sflag:s29], $0x1  }
0xb4: {  	[sflag:s29] =	ssyncadd.s32 $0xFFFFFFFF  }
0xb5: {  	_ =	strace $0x90000048  }
0xb6: {  	_ =	sfence  }
0xb7: {  	s30 =	sld [smem:$0x0];
	_ =	sdelay $0x2  }
0xb8: {  	s31 =	sshll.u32 s1, $0xD;
	s1 =	sshrl.u32 s1, $0x2  }
0xb9: {  	s3 =	sand.u32 $0x4000, s31;
	s1 =	sadd.s32 s1, s30  }
0xba: {  	s0 =	sor.u32 s3, s0;
	s1 =	sshll.u32 s1, $0x11  }
0xbb: {  	s0 =	sor.u32 s1, s0  }
0xbc: {  	s0 =	sadd.s32 $0x8F2B, s0  }
0xbd: {  	[sflag:s0] =	ssyncadd.remote.s32 $0x1  }
0xbe: {  	_ =	sfence.sel $0xFFFF  }
0xbf: {  	[dreg:$0x0] =	wrdreg $0xFFFFFFFF;
	(pc) =	sbr.abs _section_cstart, $3  }
0xc0: {  	[dreg:$0x1] =	wrdreg $0xFFFFFFFF  }
0xc1: {  	_ =	task.clear_ibuf [dreg:s7], $0x2FFFF;
	_ =	strace $0x9FFFFFFF  }
0xc2: {  	(tm) =	ssettm $0x7FFFFFFF  }
0xc3: {  	_ =	shalt  }
tec
execute0_lowered:
.L_overlay_start_1:
0x0: {  	(tag) =	ssettag $0x1  }
0x1: {  	s1 =	srdreg.scid;
	s5 =	rddreg [dreg:$0x0]  }
0x2: {  	s0 =	stileid.u32;
	s8 =	rddreg [dreg:$0x1]  }
0x3: {  	s2 =	simm.s32 $0x0;
	s13 =	simm.s32 $0x400;
	s14 =	simm.s32 $0x80  }
0x4: {  	s15 =	simm.s32 $0x8080;
	s16 =	simm.s32 $0x1;
	s17 =	simm.s32 $0x10080  }
0x5: {  	s18 =	simm.s32 $0x2;
	s19 =	simm.s32 $0x18080;
	s20 =	simm.s32 $0x0  }
0x6: {  	s6 =	sand.u32 $0x1, s1;
	s28 =	sshll.u32 s0, $0x1;
	s1 =	rddreg [dreg:$0x2]  }
0x7: {  	s9 =	sshrl.u32 s0, $0x2;
	[smem:$0x7FF] =	sst s2;
	s7 =	sor.u32 s6, s28  }
0x8: {  	v0 =	vlaneseq.u32;
	s29 =	sshll.u32 s9, $0xA;
	_ =	strace $0x80000047;
	s12 =	ssub.s32 $0x2, s6  }
0x9: {  	v1 =	vmul.u32 $0x100, v0;
	s9 =	sshll.u32 s9, $0x12;
	s3 =	sshll.u32 s7, $0x7;
	s31 =	sshrl.u32 s12, $0x1  }
0xa: {  	v2 =	vimm.f32 $0.0e+00;
	v11 =	vimm.s32 $0x0;
	s10 =	sand.u32 $0x380, s3;
	s3 =	sadd.s32 $0x1000, s5;
	s12 =	ssub.s32 s12, s31  }
.Ltmp0:
0xb: {  	v3 =	vor.u32 $0x1000, v1;
	v4 =	vor.u32 $0x2000, v1;
	v5 =	vor.u32 $0x3000, v1;
	s4 =	sor.u32 s29, s10;
	s30 =	sor.u32 s9, s10;
	(pc) =	sbr.rel .LBB2_1-.Ltmp0, $4  }
0xc: {  	v6 =	vor.u32 $0x4000, v1;
	v7 =	vor.u32 $0x5000, v1;
	v8 =	vor.u32 $0x6000, v1;
	s11 =	sshrl.u32 s4, $0x3;
	s4 =	sadd.s32 $0x801000, s5;
	s10 =	sshrl.u32 s30, $0x3  }
0xd: {  	v9 =	vor.u32 $0x7000, v1;
	v10 =	vor.u32 $0xFF, v1;
	v12 =	vor.u32 $0x10FF, v1;
	s11 =	sadd.s32 s11, s5;
	s5 =	sshll.u32 s7, $0x12;
	s8 =	sadd.s32 s8, s10  }
0xe: {  	v13 =	vor.u32 $0x20FF, v1;
	v14 =	vor.u32 $0x30FF, v1;
	v15 =	vor.u32 $0x40FF, v1;
	s10 =	smax.u32 s12, $0x1;
	s12 =	simm.s32 $0x100;
	s6 =	sadd.s32 s3, s5  }
0xf: {  	v16 =	vor.u32 $0x50FF, v1;
	v17 =	vor.u32 $0x60FF, v1;
	v18 =	vor.u32 $0x70FF, v1;
	s9 =	sadd.s32 $0x801200, s11;
	s11 =	simm.s32 $0x3;
	s7 =	sadd.s32 $0x20, s6  }
.LBB2_13:
0x10: {  	v19 =	vadd.s32 v26, v27  }
0x11: {  	v19 =	vadd.s32 v25, v19  }
0x12: {  	v19 =	vadd.s32 v24, v19  }
0x13: {  	v19 =	vadd.s32 v23, v19  }
0x14: {  	[hbm4b:s8+s14] =	stream.strided.scatter [tilespmem:s17], [sflag:$0x3], $0x8000, s13, s14, $0x38;
	v62 =	vmul.u32 $0xFFFFF800, v0;
	v19 =	vadd.s32 v22, v19;
	[tilespmem:$0x18100] =	vst v63  }
0x15: {  	_ =	swait.ge [sflag:s11], $0x8000;
	v19 =	vadd.s32 v21, v19  }
0x16: {  	s20 =	sadd.s32 $0x1, s20;
	[sflag:s11] =	ssyncset.done $0x0;
	v63 =	vadd.s32 $0xFFFE4000, v62;
	v19 =	vadd.s32 v20, v19  }
0x17: {  	p0 =	sne.s32 s20, s10;
	[sflag:s11] =	ssyncadd.s32 $0xFFFF8000;
	v19 =	vadd.s32 v63, v19  }
.Ltmp1:
0x18: {  	[tilespmem:$0x18080] =	vst v19;
	(pc) =	sbr.rel @!p0 .LBB2_14-.Ltmp1, $4  }
0x19: {  	[hbm4b:s9+s2] =	stream.linear.scatter [tilespmem:s19], [sflag:$0x3], $0x80, $0x38;
	[tilespmem:$0x18100] =	vst v63  }
0x1a: {  	_ =	swait.ge [sflag:s11], $0x80  }
0x1b: {  	[sflag:s11] =	ssyncset.done $0x0  }
0x1c: {  	[sflag:s11] =	ssyncadd.s32 $0xFFFFFF80  }
.LBB2_1:
0x1d: {  	[tilespmem:s2], [sflag:$0x3] =	stream.linear.gather [hbm4b:s4+s2], $0x80, $0x38;
	[tilespmem:$0x18100] =	vst v63  }
0x1e: {  	_ =	swait.ge [sflag:s11], $0x80  }
0x1f: {  	[sflag:s11] =	ssyncset.done $0x0  }
0x20: {  	[sflag:s11] =	ssyncadd.s32 $0xFFFFFF80  }
0x21: {  	s21 =	simm.s32 $0x0;
	s22 =	simm.s32 $0x200;
	v19 =	vld [tilespmem:$0x0]  }
.LBB2_2:
0x22: {  	p0 =	sne.s32 s22, $0x1FE00;
	[tilespmem:s21+$0x100F0] =	vst v2  }
0x23: {  	[tilespmem:s21+$0x10080] =	vst v2  }
0x24: {  	[tilespmem:s21+$0x10090] =	vst v2  }
.Ltmp2:
0x25: {  	[tilespmem:s21+$0x100A0] =	vst v2;
	(pc) =	sbr.rel @p0 .LBB2_2-.Ltmp2, $4  }
0x26: {  	[tilespmem:s21+$0x100B0] =	vst v2  }
0x27: {  	[tilespmem:s21+$0x100C0] =	vst v2  }
0x28: {  	[tilespmem:s21+$0x100D0] =	vst v2  }
0x29: {  	[tilespmem:s21+$0x100E0] =	vst v2;
	s21 =	sshra.s32 s22, $0x2;
	s22 =	sadd.s32 $0x200, s22  }
0x2a: {  	[tilespmem:s21+$0x100F0] =	vst v2  }
0x2b: {  	[tilespmem:s21+$0x10080] =	vst v2  }
0x2c: {  	[tilespmem:s21+$0x10090] =	vst v2  }
0x2d: {  	[tilespmem:s21+$0x100A0] =	vst v2  }
0x2e: {  	[tilespmem:s21+$0x100B0] =	vst v2  }
0x2f: {  	[tilespmem:s21+$0x100C0] =	vst v2  }
0x30: {  	[tilespmem:s21+$0x100D0] =	vst v2  }
0x31: {  	[tilespmem:s21+$0x100E0] =	vst v2  }
0x32: {  	[tilespmem:s14], [sflag:$0x1] =	stream.strided.gather [hbm4b:s6+s12], $0x8000, s13, s12, $0x38;
	[tilespmem:$0x18100] =	vst v63  }
0x33: {  	s21 =	simm.s32 $0x0;
	v20 =	vmov v9;
	v21 =	vmov v8;
	v22 =	vmov v7  }
0x34: {  	v23 =	vmovc v6;
	v24 =	vmovc v5;
	v25 =	vmov v4;
	v26 =	vmov v3;
	v27 =	vmov v1;
	[tilespmem:s15], [sflag:$0x2] =	stream.strided.gather [hbm4b:s7+s12], $0x8000, s13, s12, $0x38;
	[tilespmem:$0x18100] =	vst v63  }
.LBB2_4:
0x35: {  	_ =	swait.ge [sflag:s16], $0x8000  }
0x36: {  	[sflag:s16] =	ssyncset.done $0x0  }
0x37: {  	s22 =	simm.s32 $0x0;
	[sflag:s16] =	ssyncadd.s32 $0xFFFF8000  }
.LBB2_5:
0x38: {  	s23 =	sshra.s32 s22, $0x2  }
0x39: {  	v28 =	vld [tilespmem:s23+$0x80];
	_ =	sdelay $0x4  }
0x3a: {  	vm1 =	vlt.s32 v27, v10;
	vm0 =	vge.f32 v28, v19  }
0x3b: {  	v29 =	vsel vm1, v27, v10;
	_ =	sdelay $0x4  }
0x3c: {  	[tilespmem:v29+s17+$0x0] =	vst.idx.msk vm0, v28  }
0x3d: {  	v28 =	vld [tilespmem:s23+$0x90];
	_ =	sdelay $0x4  }
0x3e: {  	vm2 =	vlt.s32 v26, v12;
	vm1 =	vge.f32 v28, v19  }
0x3f: {  	v29 =	vsel vm2, v26, v12;
	_ =	sdelay $0x4  }
0x40: {  	[tilespmem:v29+s17+$0x0] =	vst.idx.msk vm1, v28  }
0x41: {  	v28 =	vld [tilespmem:s23+$0xA0];
	_ =	sdelay $0x4  }
0x42: {  	vm3 =	vlt.s32 v25, v13;
	vm2 =	vge.f32 v28, v19  }
0x43: {  	v29 =	vsel vm3, v25, v13;
	_ =	sdelay $0x4  }
0x44: {  	[tilespmem:v29+s17+$0x0] =	vst.idx.msk vm2, v28  }
0x45: {  	v28 =	vld [tilespmem:s23+$0xB0];
	_ =	sdelay $0x4  }
0x46: {  	vm4 =	vlt.s32 v24, v14;
	vm3 =	vge.f32 v28, v19  }
0x47: {  	v29 =	vsel vm4, v24, v14;
	_ =	sdelay $0x4  }
0x48: {  	[tilespmem:v29+s17+$0x0] =	vst.idx.msk vm3, v28  }
0x49: {  	v28 =	vld [tilespmem:s23+$0xC0];
	_ =	sdelay $0x4  }
0x4a: {  	vm5 =	vlt.s32 v23, v15;
	vm12 =	vge.f32 v28, v19  }
0x4b: {  	v29 =	vsel vm5, v23, v15;
	_ =	sdelay $0x4  }
0x4c: {  	[tilespmem:v29+s17+$0x0] =	vst.idx.msk vm12, v28  }
0x4d: {  	v28 =	vld [tilespmem:s23+$0xD0];
	_ =	sdelay $0x4  }
0x4e: {  	vm6 =	vlt.s32 v22, v16;
	vm13 =	vge.f32 v28, v19  }
0x4f: {  	v29 =	vsel vm6, v22, v16;
	_ =	sdelay $0x4  }
0x50: {  	[tilespmem:v29+s17+$0x0] =	vst.idx.msk vm13, v28  }
0x51: {  	v28 =	vld [tilespmem:s23+$0xE0];
	_ =	sdelay $0x4  }
0x52: {  	vm7 =	vlt.s32 v21, v17;
	vm14 =	vge.f32 v28, v19  }
0x53: {  	v29 =	vsel vm7, v21, v17;
	_ =	sdelay $0x4  }
0x54: {  	[tilespmem:v29+s17+$0x0] =	vst.idx.msk vm14, v28  }
0x55: {  	v28 =	vld [tilespmem:s23+$0xF0];
	_ =	sdelay $0x4  }
0x56: {  	vm8 =	vlt.s32 v20, v18;
	vm15 =	vge.f32 v28, v19  }
0x57: {  	v29 =	vsel vm8, v20, v18  }
0x58: {  	p0 =	sne.s32 s22, $0x1FC00;
	v30 =	vsel vm0, $0x1, v11;
	v31 =	vsel vm1, $0x1, v11  }
.Ltmp3:
0x59: {  	v27 =	vadd.s32 v30, v27;
	v26 =	vadd.s32 v31, v26;
	(pc) =	sbr.rel @p0 .LBB2_5-.Ltmp3, $4  }
0x5a: {  	v32 =	vsel vm2, $0x1, v11;
	v33 =	vsel vm3, $0x1, v11;
	v34 =	vsel vm12, $0x1, v11  }
0x5b: {  	v25 =	vadd.s32 v32, v25;
	v24 =	vadd.s32 v33, v24;
	v23 =	vadd.s32 v34, v23  }
0x5c: {  	v35 =	vsel vm13, $0x1, v11;
	[tilespmem:v29+s17+$0x0] =	vst.idx.msk vm15, v28;
	v28 =	vsel vm14, $0x1, v11;
	v29 =	vsel vm15, $0x1, v11  }
0x5d: {  	s22 =	sadd.s32 $0x400, s22;
	v22 =	vadd.s32 v35, v22;
	v21 =	vadd.s32 v28, v21;
	v20 =	vadd.s32 v29, v20  }
0x5e: {  	s22 =	simm.s32 $0x0  }
.LBB2_7:
0x5f: {  	s23 =	sshra.s32 s22, $0x2  }
0x60: {  	v28 =	vld [tilespmem:s23+$0x100];
	_ =	sdelay $0x4  }
0x61: {  	vm1 =	vlt.s32 v27, v10;
	vm0 =	vge.f32 v28, v19  }
0x62: {  	v29 =	vsel vm1, v27, v10;
	_ =	sdelay $0x4  }
0x63: {  	[tilespmem:v29+s17+$0x0] =	vst.idx.msk vm0, v28  }
0x64: {  	v28 =	vld [tilespmem:s23+$0x110];
	_ =	sdelay $0x4  }
0x65: {  	vm2 =	vlt.s32 v26, v12;
	vm1 =	vge.f32 v28, v19  }
0x66: {  	v29 =	vsel vm2, v26, v12;
	_ =	sdelay $0x4  }
0x67: {  	[tilespmem:v29+s17+$0x0] =	vst.idx.msk vm1, v28  }
0x68: {  	v28 =	vld [tilespmem:s23+$0x120];
	_ =	sdelay $0x4  }
0x69: {  	vm3 =	vlt.s32 v25, v13;
	vm2 =	vge.f32 v28, v19  }
0x6a: {  	v29 =	vsel vm3, v25, v13;
	_ =	sdelay $0x4  }
0x6b: {  	[tilespmem:v29+s17+$0x0] =	vst.idx.msk vm2, v28  }
0x6c: {  	v28 =	vld [tilespmem:s23+$0x130];
	_ =	sdelay $0x4  }
0x6d: {  	vm4 =	vlt.s32 v24, v14;
	vm3 =	vge.f32 v28, v19  }
0x6e: {  	v29 =	vsel vm4, v24, v14;
	_ =	sdelay $0x4  }
0x6f: {  	[tilespmem:v29+s17+$0x0] =	vst.idx.msk vm3, v28  }
0x70: {  	v28 =	vld [tilespmem:s23+$0x140];
	_ =	sdelay $0x4  }
0x71: {  	vm5 =	vlt.s32 v23, v15;
	vm12 =	vge.f32 v28, v19  }
0x72: {  	v29 =	vsel vm5, v23, v15;
	_ =	sdelay $0x4  }
0x73: {  	[tilespmem:v29+s17+$0x0] =	vst.idx.msk vm12, v28  }
0x74: {  	v28 =	vld [tilespmem:s23+$0x150];
	_ =	sdelay $0x4  }
0x75: {  	vm6 =	vlt.s32 v22, v16;
	vm13 =	vge.f32 v28, v19  }
0x76: {  	v29 =	vsel vm6, v22, v16;
	_ =	sdelay $0x4  }
0x77: {  	[tilespmem:v29+s17+$0x0] =	vst.idx.msk vm13, v28  }
0x78: {  	v28 =	vld [tilespmem:s23+$0x160];
	_ =	sdelay $0x4  }
0x79: {  	vm7 =	vlt.s32 v21, v17;
	vm14 =	vge.f32 v28, v19  }
0x7a: {  	v29 =	vsel vm7, v21, v17;
	_ =	sdelay $0x4  }
0x7b: {  	[tilespmem:v29+s17+$0x0] =	vst.idx.msk vm14, v28  }
0x7c: {  	v28 =	vld [tilespmem:s23+$0x170];
	_ =	sdelay $0x4  }
0x7d: {  	vm8 =	vlt.s32 v20, v18;
	vm15 =	vge.f32 v28, v19  }
0x7e: {  	v29 =	vsel vm8, v20, v18  }
0x7f: {  	p0 =	sne.s32 s22, $0x1FC00;
	v30 =	vsel vm0, $0x1, v11;
	v31 =	vsel vm1, $0x1, v11  }
.Ltmp4:
0x80: {  	v27 =	vadd.s32 v30, v27;
	v26 =	vadd.s32 v31, v26;
	(pc) =	sbr.rel @p0 .LBB2_7-.Ltmp4, $4  }
0x81: {  	v32 =	vsel vm2, $0x1, v11;
	v33 =	vsel vm3, $0x1, v11;
	v34 =	vsel vm12, $0x1, v11  }
0x82: {  	v25 =	vadd.s32 v32, v25;
	v24 =	vadd.s32 v33, v24;
	v23 =	vadd.s32 v34, v23  }
0x83: {  	v35 =	vsel vm13, $0x1, v11;
	[tilespmem:v29+s17+$0x0] =	vst.idx.msk vm15, v28;
	v28 =	vsel vm14, $0x1, v11;
	v29 =	vsel vm15, $0x1, v11  }
0x84: {  	s22 =	sadd.s32 $0x400, s22;
	v22 =	vadd.s32 v35, v22;
	v21 =	vadd.s32 v28, v21;
	v20 =	vadd.s32 v29, v20  }
0x85: {  	s22 =	sshll.u32 s21, $0x1;
	p0 =	seq.s32 s21, $0x1F  }
0x86: {  	s23 =	sadd.s32 @!p0 $0x2, s22  }
0x87: {  	s24 =	sshll.u32 @!p0 s23, $0xC;
	s23 =	sshll.u32 @!p0 s23, $0x5  }
0x88: {  	s24 =	sadd.s32 @!p0 s5, s24;
	s23 =	sand.u32 @!p0 $0x40, s23  }
0x89: {  	s25 =	simm.s32 @!p0 $0x400;
	s24 =	sand.u32 @!p0 $0xFFC000, s24;
	s23 =	sadd.s32 @!p0 s3, s23  }
0x8a: {  	s26 =	simm.s32 @!p0 $0x80;
	s23 =	sadd.s32 @!p0 s24, s23;
	s24 =	simm.s32 @!p0 $0x100  }
0x8b: {  	[tilespmem:s26], [sflag:$0x1] =	stream.strided.gather @!p0 [hbm4b:s23+s24], $0x8000, s25, s24, $0x38;
	[tilespmem:$0x18100] =	vst v63  }
0x8c: {  	_ =	swait.ge [sflag:s18], $0x8000  }
0x8d: {  	[sflag:s18] =	ssyncset.done $0x0  }
0x8e: {  	s23 =	simm.s32 $0x0;
	s24 =	simm.s32 $0x0;
	[sflag:s18] =	ssyncadd.s32 $0xFFFF8000  }
.LBB2_9:
0x8f: {  	s25 =	sshra.s32 s24, $0x2  }
0x90: {  	v29 =	vld [tilespmem:s25+$0x8080];
	_ =	sdelay $0x1  }
0x91: {  	v35 =	vmul.u32 $0x100, v0;
	_ =	sdelay $0x1  }
0x92: {  	v28 =	vor.u32 $0xFF, v35  }
0x93: {  	vm1 =	vlt.s32 v27, v28;
	vm0 =	vge.f32 v29, v19  }
0x94: {  	v30 =	vsel vm1, v27, v28;
	_ =	sdelay $0x4  }
0x95: {  	[tilespmem:v30+s17+$0x0] =	vst.idx.msk vm0, v29  }
0x96: {  	v30 =	vld [tilespmem:s25+$0x8090];
	_ =	sdelay $0x3  }
0x97: {  	v29 =	vor.u32 $0x10FF, v35  }
0x98: {  	vm2 =	vlt.s32 v26, v29;
	vm1 =	vge.f32 v30, v19  }
0x99: {  	v31 =	vsel vm2, v26, v29;
	_ =	sdelay $0x4  }
0x9a: {  	[tilespmem:v31+s17+$0x0] =	vst.idx.msk vm1, v30  }
0x9b: {  	v31 =	vld [tilespmem:s25+$0x80A0];
	_ =	sdelay $0x3  }
0x9c: {  	v30 =	vor.u32 $0x20FF, v35  }
0x9d: {  	vm3 =	vlt.s32 v25, v30;
	vm2 =	vge.f32 v31, v19  }
0x9e: {  	v32 =	vsel vm3, v25, v30;
	_ =	sdelay $0x4  }
0x9f: {  	[tilespmem:v32+s17+$0x0] =	vst.idx.msk vm2, v31  }
0xa0: {  	v32 =	vld [tilespmem:s25+$0x80B0];
	_ =	sdelay $0x3  }
0xa1: {  	v31 =	vor.u32 $0x30FF, v35  }
0xa2: {  	vm4 =	vlt.s32 v24, v31;
	vm3 =	vge.f32 v32, v19  }
0xa3: {  	v33 =	vsel vm4, v24, v31;
	_ =	sdelay $0x4  }
0xa4: {  	[tilespmem:v33+s17+$0x0] =	vst.idx.msk vm3, v32  }
0xa5: {  	v33 =	vld [tilespmem:s25+$0x80C0];
	_ =	sdelay $0x3  }
0xa6: {  	v32 =	vor.u32 $0x40FF, v35  }
0xa7: {  	vm5 =	vlt.s32 v23, v32;
	vm12 =	vge.f32 v33, v19  }
0xa8: {  	v34 =	vsel vm5, v23, v32;
	_ =	sdelay $0x4  }
0xa9: {  	[tilespmem:v34+s17+$0x0] =	vst.idx.msk vm12, v33  }
0xaa: {  	v34 =	vld [tilespmem:s25+$0x80D0];
	_ =	sdelay $0x3  }
0xab: {  	v33 =	vor.u32 $0x50FF, v35  }
0xac: {  	vm6 =	vlt.s32 v22, v33;
	vm13 =	vge.f32 v34, v19  }
0xad: {  	v36 =	vsel vm6, v22, v33;
	_ =	sdelay $0x4  }
0xae: {  	[tilespmem:v36+s17+$0x0] =	vst.idx.msk vm13, v34  }
0xaf: {  	v36 =	vld [tilespmem:s25+$0x80E0];
	_ =	sdelay $0x3  }
0xb0: {  	v34 =	vor.u32 $0x60FF, v35  }
0xb1: {  	vm7 =	vlt.s32 v21, v34;
	vm14 =	vge.f32 v36, v19  }
0xb2: {  	v37 =	vsel vm7, v21, v34;
	_ =	sdelay $0x4  }
0xb3: {  	[tilespmem:v37+s17+$0x0] =	vst.idx.msk vm14, v36  }
0xb4: {  	v36 =	vld [tilespmem:s25+$0x80F0];
	_ =	sdelay $0x3  }
0xb5: {  	v35 =	vor.u32 $0x70FF, v35  }
0xb6: {  	vm8 =	vlt.s32 v20, v35;
	vm15 =	vge.f32 v36, v19  }
0xb7: {  	p1 =	sne.s32 s24, $0x1FC00;
	v38 =	vsel vm0, $0x1, v11;
	v39 =	vsel vm1, $0x1, v11;
	v61 =	vsel vm8, v20, v35  }
.Ltmp5:
0xb8: {  	v27 =	vadd.s32 v38, v27;
	v26 =	vadd.s32 v39, v26;
	v40 =	vsel vm2, $0x1, v11;
	(pc) =	sbr.rel @p1 .LBB2_9-.Ltmp5, $4  }
0xb9: {  	v25 =	vadd.s32 v40, v25;
	v41 =	vsel vm3, $0x1, v11;
	v42 =	vsel vm12, $0x1, v11  }
0xba: {  	v24 =	vadd.s32 v41, v24;
	v23 =	vadd.s32 v42, v23;
	v43 =	vsel vm13, $0x1, v11  }
0xbb: {  	v22 =	vadd.s32 v43, v22;
	v62 =	vsel vm14, $0x1, v11;
	v63 =	vsel vm15, $0x1, v11  }
0xbc: {  	s24 =	sadd.s32 $0x400, s24;
	v21 =	vadd.s32 v62, v21;
	v20 =	vadd.s32 v63, v20;
	[tilespmem:v61+s17+$0x0] =	vst.idx.msk vm15, v36  }
.LBB2_10:
0xbd: {  	s24 =	sshra.s32 s23, $0x2  }
0xbe: {  	v36 =	vld [tilespmem:s24+$0x8100];
	_ =	sdelay $0x4  }
0xbf: {  	vm1 =	vlt.s32 v27, v28;
	vm0 =	vge.f32 v36, v19  }
0xc0: {  	v37 =	vsel vm1, v27, v28;
	_ =	sdelay $0x4  }
0xc1: {  	[tilespmem:v37+s17+$0x0] =	vst.idx.msk vm0, v36  }
0xc2: {  	v36 =	vld [tilespmem:s24+$0x8110];
	_ =	sdelay $0x4  }
0xc3: {  	vm2 =	vlt.s32 v26, v29;
	vm1 =	vge.f32 v36, v19  }
0xc4: {  	v55 =	vsel vm2, v26, v29;
	_ =	sdelay $0x4  }
0xc5: {  	[tilespmem:v55+s17+$0x0] =	vst.idx.msk vm1, v36  }
0xc6: {  	v36 =	vld [tilespmem:s24+$0x8120];
	_ =	sdelay $0x4  }
0xc7: {  	vm3 =	vlt.s32 v25, v30;
	vm2 =	vge.f32 v36, v19  }
0xc8: {  	v56 =	vsel vm3, v25, v30;
	_ =	sdelay $0x4  }
0xc9: {  	[tilespmem:v56+s17+$0x0] =	vst.idx.msk vm2, v36  }
0xca: {  	v36 =	vld [tilespmem:s24+$0x8130];
	_ =	sdelay $0x4  }
0xcb: {  	vm4 =	vlt.s32 v24, v31;
	vm3 =	vge.f32 v36, v19  }
0xcc: {  	v57 =	vsel vm4, v24, v31;
	_ =	sdelay $0x4  }
0xcd: {  	[tilespmem:v57+s17+$0x0] =	vst.idx.msk vm3, v36  }
0xce: {  	v36 =	vld [tilespmem:s24+$0x8140];
	_ =	sdelay $0x4  }
0xcf: {  	vm5 =	vlt.s32 v23, v32;
	vm12 =	vge.f32 v36, v19  }
0xd0: {  	v58 =	vsel vm5, v23, v32;
	_ =	sdelay $0x4  }
0xd1: {  	[tilespmem:v58+s17+$0x0] =	vst.idx.msk vm12, v36  }
0xd2: {  	v36 =	vld [tilespmem:s24+$0x8150];
	_ =	sdelay $0x4  }
0xd3: {  	vm6 =	vlt.s32 v22, v33;
	vm13 =	vge.f32 v36, v19  }
0xd4: {  	v59 =	vsel vm6, v22, v33;
	_ =	sdelay $0x4  }
0xd5: {  	[tilespmem:v59+s17+$0x0] =	vst.idx.msk vm13, v36  }
0xd6: {  	v36 =	vld [tilespmem:s24+$0x8160];
	_ =	sdelay $0x4  }
0xd7: {  	vm7 =	vlt.s32 v21, v34;
	vm14 =	vge.f32 v36, v19  }
0xd8: {  	v60 =	vsel vm7, v21, v34;
	_ =	sdelay $0x4  }
0xd9: {  	[tilespmem:v60+s17+$0x0] =	vst.idx.msk vm14, v36  }
0xda: {  	v36 =	vld [tilespmem:s24+$0x8170];
	_ =	sdelay $0x4  }
0xdb: {  	vm8 =	vlt.s32 v20, v35;
	vm15 =	vge.f32 v36, v19  }
0xdc: {  	p1 =	sne.s32 s23, $0x1FC00;
	v61 =	vsel vm8, v20, v35;
	v38 =	vsel vm0, $0x1, v11;
	v39 =	vsel vm1, $0x1, v11  }
.Ltmp6:
0xdd: {  	v27 =	vadd.s32 v38, v27;
	v26 =	vadd.s32 v39, v26;
	v40 =	vsel vm2, $0x1, v11;
	(pc) =	sbr.rel @p1 .LBB2_10-.Ltmp6, $4  }
0xde: {  	v25 =	vadd.s32 v40, v25;
	v41 =	vsel vm3, $0x1, v11;
	v42 =	vsel vm12, $0x1, v11  }
0xdf: {  	v24 =	vadd.s32 v41, v24;
	v23 =	vadd.s32 v42, v23;
	v43 =	vsel vm13, $0x1, v11  }
0xe0: {  	v22 =	vadd.s32 v43, v22;
	v62 =	vsel vm14, $0x1, v11;
	v63 =	vsel vm15, $0x1, v11  }
0xe1: {  	s23 =	sadd.s32 $0x400, s23;
	v21 =	vadd.s32 v62, v21;
	v20 =	vadd.s32 v63, v20;
	[tilespmem:v61+s17+$0x0] =	vst.idx.msk vm15, v36  }
.Ltmp7:
0xe2: {  	(pc) =	sbr.rel @p0 .LBB2_13-.Ltmp7, $1  }
0xe3: {  	_ =	sdelay $0x3  }
0xe4: {  	s22 =	sadd.s32 $0x3, s22  }
.Ltmp8:
0xe5: {  	s23 =	sshll.u32 s22, $0xC;
	s22 =	sshll.u32 s22, $0x5;
	(pc) =	sbr.rel .LBB2_4-.Ltmp8, $4  }
0xe6: {  	s23 =	sadd.s32 s5, s23;
	s22 =	sand.u32 $0x60, s22  }
0xe7: {  	s23 =	sand.u32 $0xFFC000, s23;
	s22 =	sadd.s32 s3, s22  }
0xe8: {  	s21 =	sadd.s32 $0x1, s21;
	s22 =	sadd.s32 s23, s22  }
0xe9: {  	[tilespmem:s15], [sflag:$0x2] =	stream.strided.gather [hbm4b:s22+s12], $0x8000, s13, s12, $0x38;
	[tilespmem:$0x18100] =	vst v63  }
.LBB2_14:
0xea: {  	_ =	sfence.sel $0x180000  }
0xeb: {  	[bflag:$0x0] =	sbarrier.arrive $0xFFFF  }
0xec: {  	p0 =	sne.s32 s0, $0x0;
	_ =	strace $0x90000047  }
0xed: {  	s0 =	sadd.s32 @!p0 $0x100000, s1;
	[bflag:$0x2] =	sbarrier.arrive $0xFFFF  }
0xee: {  	[sflag:s0] =	ssyncadd.tile.s32 @!p0 $0x1;
	_ =	shalt  }
.Lfunc_end2:
_tile_overlayer_lowered:
.L_overlay_start_2:
0xef: {  	(tag) =	ssettag $0x2  }
0xf0: {  	s0 =	rddreg [dreg:$0x0];
	s2 =	stileid.u32  }
0xf1: {  	s1 =	rddreg [dreg:$0x1];
	p0 =	sne.s32 s2, $0x0  }
0xf2: {  	s3 =	rddreg [dreg:$0x2];
	[bflag:$0x3] =	sbarrier.arrive $0xFFFF;
	s2 =	simm.s32 @!p0 $0x1C03  }
0xf3: {  	[timem:s3], [sflag:s2] =	dma.local @!p0 [hbm:s0], s1  }
0xf4: {  	s0 =	simm.s32 @!p0 $0x3  }
0xf5: {  	_ =	swait.ge @!p0 [sflag:s0], s1  }
0xf6: {  	s1 =	ssub.s32 @!p0 $0x0, s1;
	[sflag:s0] =	ssyncset.done @!p0 $0x0  }
0xf7: {  	[sflag:s0] =	ssyncadd.s32 @!p0 s1  }
0xf8: {  	[bflag:$0x3] =	sbarrier.arrive $0xFFFF  }
0xf9: {  	_ =	shalt  }

</sc_bundles>
